<compile_context>
chip_gen: v7x
topology: tpu7x:2x2x1
jax: 0.10.2.dev20260603
libtpu: 0.0.44.dev20260713+nightly
codegen_flags: <defaults>
</compile_context>

<pallas_src>
import functools

import jax
import jax.numpy as jnp
from jax import lax
from jax.experimental import pallas as pl
from jax.experimental.pallas import tpu as pltpu
from jax.experimental.pallas import tpu_sc as plsc

M = 6890
N = 20000
M_PAD = 6912
N_SC = 3616
N_TC = N - N_SC
BN = 2048
LANES = 128
MP = 7168
PT = 224
NV = N_SC // 16
TUF = 8
NC = 2

_mesh = plsc.VectorSubcoreMesh(core_axis_name="c", subcore_axis_name="s")


def _tc_body(scan_ref, temp_ref, out_ref):
    temp2 = temp_ref[:] * 2.0

    def step(j, acc):
        blk = scan_ref[:, pl.ds(j * BN, BN)]
        s0 = blk[0:1, :]
        s1 = blk[1:2, :]
        s2 = blk[2:3, :]
        sqs = s0 * s0 + s1 * s1 + s2 * s2
        cross2 = lax.dot_general(
            temp2, blk, (((1,), (0,)), ((), ())),
            preferred_element_type=jnp.float32)
        v = sqs - cross2
        chunks = [v[:, c * LANES:(c + 1) * LANES] for c in range(BN // LANES)]
        while len(chunks) > 1:
            chunks = [jnp.minimum(chunks[i], chunks[i + 1])
                      for i in range(0, len(chunks), 2)]
        return jnp.minimum(acc, chunks[0])

    acc0 = jnp.full((M_PAD, LANES), jnp.inf, jnp.float32)
    out_ref[:, :] = lax.fori_loop(0, N_TC // BN, step, acc0)


def _rnd_bf16(v):
    c = v * 65537.0
    return c - (c - v)


def _sc_body(sx_hbm, sy_hbm, sz_hbm, tx_hbm, ty_hbm, tz_hbm,
             out_hbm, sx, sy, sz, sq, tq0, tq1, tq2, outv):
    wid = lax.axis_index("s") * NC + lax.axis_index("c")

    pltpu.sync_copy(sx_hbm, sx)
    pltpu.sync_copy(sy_hbm, sy)
    pltpu.sync_copy(sz_hbm, sz)
    base = wid * PT
    pltpu.sync_copy(tx_hbm.at[pl.ds(base, PT)], tq0)
    pltpu.sync_copy(ty_hbm.at[pl.ds(base, PT)], tq1)
    pltpu.sync_copy(tz_hbm.at[pl.ds(base, PT)], tq2)

    def prep_scan(j, _):
        vx = sx[pl.ds(j * 16, 16)]
        vy = sy[pl.ds(j * 16, 16)]
        vz = sz[pl.ds(j * 16, 16)]
        sq[pl.ds(j * 16, 16)] = vx * vx + vy * vy + vz * vz
        sx[pl.ds(j * 16, 16)] = _rnd_bf16(vx)
        sy[pl.ds(j * 16, 16)] = _rnd_bf16(vy)
        sz[pl.ds(j * 16, 16)] = _rnd_bf16(vz)
        return 0
    lax.fori_loop(0, NV, prep_scan, 0)

    def prep_temp(i, _):
        for tqk in (tq0, tq1, tq2):
            v = tqk[pl.ds(i * 16, 16)]
            tqk[pl.ds(i * 16, 16)] = _rnd_bf16(v) * 2.0
        return 0
    lax.fori_loop(0, PT // 16, prep_temp, 0)

    def group(g, _):
        gv = [tqk[pl.ds(g * 16, 16)] for tqk in (tq0, tq1, tq2)]
        for half in range(16 // TUF):
            tb = [[jnp.broadcast_to(gv[k][half * TUF + u], (16,))
                   for k in range(3)] for u in range(TUF)]

            def sweep(j, accs):
                vx = sx[pl.ds(j * 16, 16)]
                vy = sy[pl.ds(j * 16, 16)]
                vz = sz[pl.ds(j * 16, 16)]
                q = sq[pl.ds(j * 16, 16)]
                out = []
                for u in range(TUF):
                    p = tb[u][0] * vx + tb[u][1] * vy + tb[u][2] * vz
                    out.append(jnp.minimum(accs[u], q - p))
                return tuple(out)

            inf = jnp.full((16,), jnp.inf, jnp.float32)
            accs = lax.fori_loop(0, NV, sweep, (inf,) * TUF)
            for u in range(TUF):
                outv[g * 16 + half * TUF + u, :] = accs[u]
        return 0
    lax.fori_loop(0, PT // 16, group, 0)

    pltpu.sync_copy(outv, out_hbm.at[pl.ds(base, PT)])


_sc_call = functools.partial(
    pl.kernel,
    out_type=jax.ShapeDtypeStruct((MP, 16), jnp.float32),
    mesh=_mesh,
    scratch_types=[
        pltpu.VMEM((N_SC,), jnp.float32),
        pltpu.VMEM((N_SC,), jnp.float32),
        pltpu.VMEM((N_SC,), jnp.float32),
        pltpu.VMEM((N_SC,), jnp.float32),
        pltpu.VMEM((PT,), jnp.float32),
        pltpu.VMEM((PT,), jnp.float32),
        pltpu.VMEM((PT,), jnp.float32),
        pltpu.VMEM((PT, 16), jnp.float32),
    ],
)(_sc_body)


def _combine_body(acc_ref, mins_ref, temp_ref, out_ref):
    tsq = temp_ref[:] * temp_ref[:]
    sqt = jnp.sum(tsq, axis=1, keepdims=True)
    m1 = jnp.min(acc_ref[:], axis=1, keepdims=True)
    m2 = jnp.min(mins_ref[0:M_PAD, :], axis=1, keepdims=True)
    dist2 = jnp.minimum(m1, m2) + sqt
    dist2 = jnp.maximum(dist2, 0.0)
    row = lax.broadcasted_iota(jnp.int32, (M_PAD, 1), 0)
    dist2 = jnp.where(row < M, dist2, 0.0)
    out_ref[:, :] = jnp.sum(dist2, keepdims=True)


@functools.partial(jax.jit)
def kernel(scan_vertices, template_vertices):
    temp_pad = jnp.pad(template_vertices, ((0, M_PAD - M), (0, 0)))
    temp_mp = jnp.pad(template_vertices, ((0, MP - M), (0, 0)))
    scan_tc = scan_vertices[:N_TC].T
    acc = pl.pallas_call(
        _tc_body,
        out_shape=jax.ShapeDtypeStruct((M_PAD, LANES), jnp.float32),
    )(scan_tc, temp_pad)
    mins = _sc_call(scan_vertices[N_TC:, 0], scan_vertices[N_TC:, 1],
                    scan_vertices[N_TC:, 2], temp_mp[:, 0],
                    temp_mp[:, 1], temp_mp[:, 2])
    out = pl.pallas_call(
        _combine_body,
        out_shape=jax.ShapeDtypeStruct((1, 1), jnp.float32),
    )(acc, mins, temp_pad)
    return out[0, 0]

# --- scband reference (transcript-rebuilt; emitter-appended) ---
"""Pipeline reference for scband-data-loss-38525856645460 (READ-ONLY COPY).

The authoritative reference and input builder live on the scoring server;
editing this copy changes nothing except your own understanding.
"""

import jax, jax.numpy as jnp
import numpy as np

def setup_inputs(seed: int = 0) -> dict:
    key = jax.random.key(seed)
    k1, k2 = jax.random.split(key)
    scan_vertices = jax.random.normal(k1, (20000, 3), dtype=jnp.float32)
    template_vertices = jax.random.normal(k2, (6890, 3), dtype=jnp.float32)
    return {"scan_vertices": scan_vertices, "template_vertices": template_vertices}

def reference(scan_vertices, template_vertices):
    # Directional Chamfer: for each template vertex, squared distance to the
    # nearest scan vertex; return the sum over template vertices.
    # ChamferDistance returns (dist1, dist2); forward uses [1].sum() which is
    # the template->scan direction with squared distances.
    sq_scan = jnp.sum(scan_vertices * scan_vertices, axis=1)          # [N]
    sq_temp = jnp.sum(template_vertices * template_vertices, axis=1)  # [M]
    cross = template_vertices @ scan_vertices.T                       # [M, N]
    d2 = sq_temp[:, None] + sq_scan[None, :] - 2.0 * cross            # [M, N]
    d2 = jnp.maximum(d2, 0.0)
    dist2 = jnp.min(d2, axis=1)                                       # [M]
    return jnp.sum(dist2)

if __name__ == "__main__":
    import jax
    _d = setup_inputs()
    print(jax.jit(kernel)(*tuple(_d.values())))

</pallas_src>

<mosaic_0001>
#map = affine_map<(d0, d1) -> (0)>
#map1 = affine_map<(d0, d1) -> (0, 0)>
module attributes {stable_mosaic.version = 14 : i64} {
  func.func @_sc_body(%arg0: i32, %arg1: i32, %arg2: memref<3616xf32, #tpu.memory_space<hbm>>, %arg3: memref<3616xf32, #tpu.memory_space<hbm>>, %arg4: memref<3616xf32, #tpu.memory_space<hbm>>, %arg5: memref<7168xf32, #tpu.memory_space<hbm>>, %arg6: memref<7168xf32, #tpu.memory_space<hbm>>, %arg7: memref<7168xf32, #tpu.memory_space<hbm>>, %arg8: memref<7168x16xf32, #tpu.memory_space<hbm>>, %arg9: memref<3616xf32, #tpu.memory_space<vmem>>, %arg10: memref<3616xf32, #tpu.memory_space<vmem>>, %arg11: memref<3616xf32, #tpu.memory_space<vmem>>, %arg12: memref<3616xf32, #tpu.memory_space<vmem>>, %arg13: memref<224xf32, #tpu.memory_space<vmem>>, %arg14: memref<224xf32, #tpu.memory_space<vmem>>, %arg15: memref<224xf32, #tpu.memory_space<vmem>>, %arg16: memref<224x16xf32, #tpu.memory_space<vmem>>) attributes {dimension_semantics = [#tpu.dimension_semantics<core_parallel>, #tpu.dimension_semantics<subcore_parallel>], iteration_bounds = array<i64: 2, 16>, scalar_prefetch = 0 : i64, scratch_operands = 8 : i64, tpu.core_type = #tpu.core_type<sc_vector_subcore>, window_params = [{transform_indices = #map}, {transform_indices = #map}, {transform_indices = #map}, {transform_indices = #map}, {transform_indices = #map}, {transform_indices = #map}, {transform_indices = #map1}]} {
    %mul3A = arith.constant 2 : i32
    %mul3A_0 = arith.muli %arg1, %mul3A : i32
    %add3A = arith.addi %mul3A_0, %arg0 : i32
    "tpu.region"() ({
      %run_scoped3A = tpu.sem_alloc : memref<!tpu.dma_semaphore, #tpu.memory_space<semaphore_mem>>
      tpu.enqueue_dma source(%arg2 : memref<3616xf32, #tpu.memory_space<hbm>>) target(%arg9 : memref<3616xf32, #tpu.memory_space<vmem>>) target_semaphore(%run_scoped3A : memref<!tpu.dma_semaphore, #tpu.memory_space<semaphore_mem>>)
      tpu.wait_dma2 semaphore(%run_scoped3A : memref<!tpu.dma_semaphore, #tpu.memory_space<semaphore_mem>>) src(%arg2 : memref<3616xf32, #tpu.memory_space<hbm>>) dst(%arg9 : memref<3616xf32, #tpu.memory_space<vmem>>)
      tpu.yield
    }) : () -> ()
    "tpu.region"() ({
      %run_scoped3A = tpu.sem_alloc : memref<!tpu.dma_semaphore, #tpu.memory_space<semaphore_mem>>
      tpu.enqueue_dma source(%arg3 : memref<3616xf32, #tpu.memory_space<hbm>>) target(%arg10 : memref<3616xf32, #tpu.memory_space<vmem>>) target_semaphore(%run_scoped3A : memref<!tpu.dma_semaphore, #tpu.memory_space<semaphore_mem>>)
      tpu.wait_dma2 semaphore(%run_scoped3A : memref<!tpu.dma_semaphore, #tpu.memory_space<semaphore_mem>>) src(%arg3 : memref<3616xf32, #tpu.memory_space<hbm>>) dst(%arg10 : memref<3616xf32, #tpu.memory_space<vmem>>)
      tpu.yield
    }) : () -> ()
    "tpu.region"() ({
      %run_scoped3A = tpu.sem_alloc : memref<!tpu.dma_semaphore, #tpu.memory_space<semaphore_mem>>
      tpu.enqueue_dma source(%arg4 : memref<3616xf32, #tpu.memory_space<hbm>>) target(%arg11 : memref<3616xf32, #tpu.memory_space<vmem>>) target_semaphore(%run_scoped3A : memref<!tpu.dma_semaphore, #tpu.memory_space<semaphore_mem>>)
      tpu.wait_dma2 semaphore(%run_scoped3A : memref<!tpu.dma_semaphore, #tpu.memory_space<semaphore_mem>>) src(%arg4 : memref<3616xf32, #tpu.memory_space<hbm>>) dst(%arg11 : memref<3616xf32, #tpu.memory_space<vmem>>)
      tpu.yield
    }) : () -> ()
    %mul3A_1 = arith.constant 224 : i32
    %mul3A_2 = arith.muli %add3A, %mul3A_1 : i32
    "tpu.region"() ({
      %run_scoped3A = tpu.sem_alloc : memref<!tpu.dma_semaphore, #tpu.memory_space<semaphore_mem>>
      %dma_start3A = tpu.memref_slice %arg5[%mul3A_2] : memref<7168xf32, #tpu.memory_space<hbm>> -> memref<224xf32, #tpu.memory_space<hbm>>
      %dma_start3A_23 = tpu.memref_slice %arg5[%mul3A_2] : memref<7168xf32, #tpu.memory_space<hbm>> -> memref<224xf32, #tpu.memory_space<hbm>>
      tpu.enqueue_dma source(%dma_start3A_23 : memref<224xf32, #tpu.memory_space<hbm>>) target(%arg13 : memref<224xf32, #tpu.memory_space<vmem>>) target_semaphore(%run_scoped3A : memref<!tpu.dma_semaphore, #tpu.memory_space<semaphore_mem>>)
      %dma_wait3A = tpu.memref_slice %arg5[%mul3A_2] : memref<7168xf32, #tpu.memory_space<hbm>> -> memref<224xf32, #tpu.memory_space<hbm>>
      %dma_wait3A_24 = tpu.memref_slice %arg5[%mul3A_2] : memref<7168xf32, #tpu.memory_space<hbm>> -> memref<224xf32, #tpu.memory_space<hbm>>
      tpu.wait_dma2 semaphore(%run_scoped3A : memref<!tpu.dma_semaphore, #tpu.memory_space<semaphore_mem>>) src(%dma_wait3A_24 : memref<224xf32, #tpu.memory_space<hbm>>) dst(%arg13 : memref<224xf32, #tpu.memory_space<vmem>>)
      tpu.yield
    }) : () -> ()
    "tpu.region"() ({
      %run_scoped3A = tpu.sem_alloc : memref<!tpu.dma_semaphore, #tpu.memory_space<semaphore_mem>>
      %dma_start3A = tpu.memref_slice %arg6[%mul3A_2] : memref<7168xf32, #tpu.memory_space<hbm>> -> memref<224xf32, #tpu.memory_space<hbm>>
      %dma_start3A_23 = tpu.memref_slice %arg6[%mul3A_2] : memref<7168xf32, #tpu.memory_space<hbm>> -> memref<224xf32, #tpu.memory_space<hbm>>
      tpu.enqueue_dma source(%dma_start3A_23 : memref<224xf32, #tpu.memory_space<hbm>>) target(%arg14 : memref<224xf32, #tpu.memory_space<vmem>>) target_semaphore(%run_scoped3A : memref<!tpu.dma_semaphore, #tpu.memory_space<semaphore_mem>>)
      %dma_wait3A = tpu.memref_slice %arg6[%mul3A_2] : memref<7168xf32, #tpu.memory_space<hbm>> -> memref<224xf32, #tpu.memory_space<hbm>>
      %dma_wait3A_24 = tpu.memref_slice %arg6[%mul3A_2] : memref<7168xf32, #tpu.memory_space<hbm>> -> memref<224xf32, #tpu.memory_space<hbm>>
      tpu.wait_dma2 semaphore(%run_scoped3A : memref<!tpu.dma_semaphore, #tpu.memory_space<semaphore_mem>>) src(%dma_wait3A_24 : memref<224xf32, #tpu.memory_space<hbm>>) dst(%arg14 : memref<224xf32, #tpu.memory_space<vmem>>)
      tpu.yield
    }) : () -> ()
    "tpu.region"() ({
      %run_scoped3A = tpu.sem_alloc : memref<!tpu.dma_semaphore, #tpu.memory_space<semaphore_mem>>
      %dma_start3A = tpu.memref_slice %arg7[%mul3A_2] : memref<7168xf32, #tpu.memory_space<hbm>> -> memref<224xf32, #tpu.memory_space<hbm>>
      %dma_start3A_23 = tpu.memref_slice %arg7[%mul3A_2] : memref<7168xf32, #tpu.memory_space<hbm>> -> memref<224xf32, #tpu.memory_space<hbm>>
      tpu.enqueue_dma source(%dma_start3A_23 : memref<224xf32, #tpu.memory_space<hbm>>) target(%arg15 : memref<224xf32, #tpu.memory_space<vmem>>) target_semaphore(%run_scoped3A : memref<!tpu.dma_semaphore, #tpu.memory_space<semaphore_mem>>)
      %dma_wait3A = tpu.memref_slice %arg7[%mul3A_2] : memref<7168xf32, #tpu.memory_space<hbm>> -> memref<224xf32, #tpu.memory_space<hbm>>
      %dma_wait3A_24 = tpu.memref_slice %arg7[%mul3A_2] : memref<7168xf32, #tpu.memory_space<hbm>> -> memref<224xf32, #tpu.memory_space<hbm>>
      tpu.wait_dma2 semaphore(%run_scoped3A : memref<!tpu.dma_semaphore, #tpu.memory_space<semaphore_mem>>) src(%dma_wait3A_24 : memref<224xf32, #tpu.memory_space<hbm>>) dst(%arg15 : memref<224xf32, #tpu.memory_space<vmem>>)
      tpu.yield
    }) : () -> ()
    %scan3A = arith.constant 0 : i32
    %scan3A_3 = arith.constant 0 : i32
    %scan3A_4 = arith.constant 226 : i32
    %scan3A_5 = arith.addi %scan3A_3, %scan3A_4 : i32
    %scan3A_6 = arith.constant 1 : i32
    %scan3A_7 = scf.for %scan3A_23 = %scan3A_3 to %scan3A_5 step %scan3A_6 iter_args(%scan3A_24 = %scan3A) -> (i32)  : i32 {
      %mul3A_25 = arith.constant 16 : i32
      %mul3A_26 = arith.muli %scan3A_23, %mul3A_25 : i32
      %get3A = arith.index_cast %mul3A_26 : i32 to index
      %get3A_27 = tpu.vector_load %arg9[%get3A] {strides = array<i32>} : memref<3616xf32, #tpu.memory_space<vmem>>, vector<16xf32>,
      %get3A_28 = vector.shape_cast %get3A_27 : vector<16xf32> to vector<16xf32>
      %mul3A_29 = arith.constant 16 : i32
      %mul3A_30 = arith.muli %scan3A_23, %mul3A_29 : i32
      %get3A_31 = arith.index_cast %mul3A_30 : i32 to index
      %get3A_32 = tpu.vector_load %arg10[%get3A_31] {strides = array<i32>} : memref<3616xf32, #tpu.memory_space<vmem>>, vector<16xf32>,
      %get3A_33 = vector.shape_cast %get3A_32 : vector<16xf32> to vector<16xf32>
      %mul3A_34 = arith.constant 16 : i32
      %mul3A_35 = arith.muli %scan3A_23, %mul3A_34 : i32
      %get3A_36 = arith.index_cast %mul3A_35 : i32 to index
      %get3A_37 = tpu.vector_load %arg11[%get3A_36] {strides = array<i32>} : memref<3616xf32, #tpu.memory_space<vmem>>, vector<16xf32>,
      %get3A_38 = vector.shape_cast %get3A_37 : vector<16xf32> to vector<16xf32>
      %mul3A_39 = arith.mulf %get3A_28, %get3A_28 : vector<16xf32>
      %mul3A_40 = arith.mulf %get3A_33, %get3A_33 : vector<16xf32>
      %add3A_41 = arith.addf %mul3A_39, %mul3A_40 : vector<16xf32>
      %mul3A_42 = arith.mulf %get3A_38, %get3A_38 : vector<16xf32>
      %add3A_43 = arith.addf %add3A_41, %mul3A_42 : vector<16xf32>
      %mul3A_44 = arith.constant 16 : i32
      %mul3A_45 = arith.muli %scan3A_23, %mul3A_44 : i32
      %swap3A = arith.index_cast %mul3A_45 : i32 to index
      %swap3A_46 = tpu.vector_load %arg12[%swap3A] {strides = array<i32>} : memref<3616xf32, #tpu.memory_space<vmem>>, vector<16xf32>,
      %swap3A_47 = vector.shape_cast %swap3A_46 : vector<16xf32> to vector<16xf32>
      %swap3A_48 = vector.shape_cast %add3A_43 : vector<16xf32> to vector<16xf32>
      tpu.vector_store %arg12[%swap3A], %swap3A_48 {strides = array<i32>} : memref<3616xf32, #tpu.memory_space<vmem>>, vector<16xf32>,
      %mul3A_49 = arith.constant 6.553700e+04 : f32
      %mul3A_50 = vector.broadcast %mul3A_49 : f32 to vector<16xf32>
      %mul3A_51 = arith.mulf %get3A_28, %mul3A_50 : vector<16xf32>
      %sub3A = arith.subf %mul3A_51, %get3A_28 : vector<16xf32>
      %sub3A_52 = arith.subf %mul3A_51, %sub3A : vector<16xf32>
      %mul3A_53 = arith.constant 16 : i32
      %mul3A_54 = arith.muli %scan3A_23, %mul3A_53 : i32
      %swap3A_55 = arith.index_cast %mul3A_54 : i32 to index
      %swap3A_56 = tpu.vector_load %arg9[%swap3A_55] {strides = array<i32>} : memref<3616xf32, #tpu.memory_space<vmem>>, vector<16xf32>,
      %swap3A_57 = vector.shape_cast %swap3A_56 : vector<16xf32> to vector<16xf32>
      %swap3A_58 = vector.shape_cast %sub3A_52 : vector<16xf32> to vector<16xf32>
      tpu.vector_store %arg9[%swap3A_55], %swap3A_58 {strides = array<i32>} : memref<3616xf32, #tpu.memory_space<vmem>>, vector<16xf32>,
      %mul3A_59 = arith.constant 6.553700e+04 : f32
      %mul3A_60 = vector.broadcast %mul3A_59 : f32 to vector<16xf32>
      %mul3A_61 = arith.mulf %get3A_33, %mul3A_60 : vector<16xf32>
      %sub3A_62 = arith.subf %mul3A_61, %get3A_33 : vector<16xf32>
      %sub3A_63 = arith.subf %mul3A_61, %sub3A_62 : vector<16xf32>
      %mul3A_64 = arith.constant 16 : i32
      %mul3A_65 = arith.muli %scan3A_23, %mul3A_64 : i32
      %swap3A_66 = arith.index_cast %mul3A_65 : i32 to index
      %swap3A_67 = tpu.vector_load %arg10[%swap3A_66] {strides = array<i32>} : memref<3616xf32, #tpu.memory_space<vmem>>, vector<16xf32>,
      %swap3A_68 = vector.shape_cast %swap3A_67 : vector<16xf32> to vector<16xf32>
      %swap3A_69 = vector.shape_cast %sub3A_63 : vector<16xf32> to vector<16xf32>
      tpu.vector_store %arg10[%swap3A_66], %swap3A_69 {strides = array<i32>} : memref<3616xf32, #tpu.memory_space<vmem>>, vector<16xf32>,
      %mul3A_70 = arith.constant 6.553700e+04 : f32
      %mul3A_71 = vector.broadcast %mul3A_70 : f32 to vector<16xf32>
      %mul3A_72 = arith.mulf %get3A_38, %mul3A_71 : vector<16xf32>
      %sub3A_73 = arith.subf %mul3A_72, %get3A_38 : vector<16xf32>
      %sub3A_74 = arith.subf %mul3A_72, %sub3A_73 : vector<16xf32>
      %mul3A_75 = arith.constant 16 : i32
      %mul3A_76 = arith.muli %scan3A_23, %mul3A_75 : i32
      %swap3A_77 = arith.index_cast %mul3A_76 : i32 to index
      %swap3A_78 = tpu.vector_load %arg11[%swap3A_77] {strides = array<i32>} : memref<3616xf32, #tpu.memory_space<vmem>>, vector<16xf32>,
      %swap3A_79 = vector.shape_cast %swap3A_78 : vector<16xf32> to vector<16xf32>
      %swap3A_80 = vector.shape_cast %sub3A_74 : vector<16xf32> to vector<16xf32>
      tpu.vector_store %arg11[%swap3A_77], %swap3A_80 {strides = array<i32>} : memref<3616xf32, #tpu.memory_space<vmem>>, vector<16xf32>,
      %scan3A_81 = arith.constant 0 : i32
      scf.yield %scan3A_81 : i32
    }
    %scan3A_8 = arith.constant 226 : i32
    %scan3A_9 = arith.constant 0 : i32
    %scan3A_10 = arith.constant 0 : i32
    %scan3A_11 = arith.constant 14 : i32
    %scan3A_12 = arith.addi %scan3A_10, %scan3A_11 : i32
    %scan3A_13 = arith.constant 1 : i32
    %scan3A_14 = scf.for %scan3A_23 = %scan3A_10 to %scan3A_12 step %scan3A_13 iter_args(%scan3A_24 = %scan3A_9) -> (i32)  : i32 {
      %mul3A_25 = arith.constant 16 : i32
      %mul3A_26 = arith.muli %scan3A_23, %mul3A_25 : i32
      %get3A = arith.index_cast %mul3A_26 : i32 to index
      %get3A_27 = tpu.vector_load %arg13[%get3A] {strides = array<i32>} : memref<224xf32, #tpu.memory_space<vmem>>, vector<16xf32>,
      %get3A_28 = vector.shape_cast %get3A_27 : vector<16xf32> to vector<16xf32>
      %mul3A_29 = arith.constant 6.553700e+04 : f32
      %mul3A_30 = vector.broadcast %mul3A_29 : f32 to vector<16xf32>
      %mul3A_31 = arith.mulf %get3A_28, %mul3A_30 : vector<16xf32>
      %sub3A = arith.subf %mul3A_31, %get3A_28 : vector<16xf32>
      %sub3A_32 = arith.subf %mul3A_31, %sub3A : vector<16xf32>
      %mul3A_33 = arith.constant 2.000000e+00 : f32
      %mul3A_34 = vector.broadcast %mul3A_33 : f32 to vector<16xf32>
      %mul3A_35 = arith.mulf %sub3A_32, %mul3A_34 : vector<16xf32>
      %mul3A_36 = arith.constant 16 : i32
      %mul3A_37 = arith.muli %scan3A_23, %mul3A_36 : i32
      %swap3A = arith.index_cast %mul3A_37 : i32 to index
      %swap3A_38 = tpu.vector_load %arg13[%swap3A] {strides = array<i32>} : memref<224xf32, #tpu.memory_space<vmem>>, vector<16xf32>,
      %swap3A_39 = vector.shape_cast %swap3A_38 : vector<16xf32> to vector<16xf32>
      %swap3A_40 = vector.shape_cast %mul3A_35 : vector<16xf32> to vector<16xf32>
      tpu.vector_store %arg13[%swap3A], %swap3A_40 {strides = array<i32>} : memref<224xf32, #tpu.memory_space<vmem>>, vector<16xf32>,
      %mul3A_41 = arith.constant 16 : i32
      %mul3A_42 = arith.muli %scan3A_23, %mul3A_41 : i32
      %get3A_43 = arith.index_cast %mul3A_42 : i32 to index
      %get3A_44 = tpu.vector_load %arg14[%get3A_43] {strides = array<i32>} : memref<224xf32, #tpu.memory_space<vmem>>, vector<16xf32>,
      %get3A_45 = vector.shape_cast %get3A_44 : vector<16xf32> to vector<16xf32>
      %mul3A_46 = arith.constant 6.553700e+04 : f32
      %mul3A_47 = vector.broadcast %mul3A_46 : f32 to vector<16xf32>
      %mul3A_48 = arith.mulf %get3A_45, %mul3A_47 : vector<16xf32>
      %sub3A_49 = arith.subf %mul3A_48, %get3A_45 : vector<16xf32>
      %sub3A_50 = arith.subf %mul3A_48, %sub3A_49 : vector<16xf32>
      %mul3A_51 = arith.constant 2.000000e+00 : f32
      %mul3A_52 = vector.broadcast %mul3A_51 : f32 to vector<16xf32>
      %mul3A_53 = arith.mulf %sub3A_50, %mul3A_52 : vector<16xf32>
      %mul3A_54 = arith.constant 16 : i32
      %mul3A_55 = arith.muli %scan3A_23, %mul3A_54 : i32
      %swap3A_56 = arith.index_cast %mul3A_55 : i32 to index
      %swap3A_57 = tpu.vector_load %arg14[%swap3A_56] {strides = array<i32>} : memref<224xf32, #tpu.memory_space<vmem>>, vector<16xf32>,
      %swap3A_58 = vector.shape_cast %swap3A_57 : vector<16xf32> to vector<16xf32>
      %swap3A_59 = vector.shape_cast %mul3A_53 : vector<16xf32> to vector<16xf32>
      tpu.vector_store %arg14[%swap3A_56], %swap3A_59 {strides = array<i32>} : memref<224xf32, #tpu.memory_space<vmem>>, vector<16xf32>,
      %mul3A_60 = arith.constant 16 : i32
      %mul3A_61 = arith.muli %scan3A_23, %mul3A_60 : i32
      %get3A_62 = arith.index_cast %mul3A_61 : i32 to index
      %get3A_63 = tpu.vector_load %arg15[%get3A_62] {strides = array<i32>} : memref<224xf32, #tpu.memory_space<vmem>>, vector<16xf32>,
      %get3A_64 = vector.shape_cast %get3A_63 : vector<16xf32> to vector<16xf32>
      %mul3A_65 = arith.constant 6.553700e+04 : f32
      %mul3A_66 = vector.broadcast %mul3A_65 : f32 to vector<16xf32>
      %mul3A_67 = arith.mulf %get3A_64, %mul3A_66 : vector<16xf32>
      %sub3A_68 = arith.subf %mul3A_67, %get3A_64 : vector<16xf32>
      %sub3A_69 = arith.subf %mul3A_67, %sub3A_68 : vector<16xf32>
      %mul3A_70 = arith.constant 2.000000e+00 : f32
      %mul3A_71 = vector.broadcast %mul3A_70 : f32 to vector<16xf32>
      %mul3A_72 = arith.mulf %sub3A_69, %mul3A_71 : vector<16xf32>
      %mul3A_73 = arith.constant 16 : i32
      %mul3A_74 = arith.muli %scan3A_23, %mul3A_73 : i32
      %swap3A_75 = arith.index_cast %mul3A_74 : i32 to index
      %swap3A_76 = tpu.vector_load %arg15[%swap3A_75] {strides = array<i32>} : memref<224xf32, #tpu.memory_space<vmem>>, vector<16xf32>,
      %swap3A_77 = vector.shape_cast %swap3A_76 : vector<16xf32> to vector<16xf32>
      %swap3A_78 = vector.shape_cast %mul3A_72 : vector<16xf32> to vector<16xf32>
      tpu.vector_store %arg15[%swap3A_75], %swap3A_78 {strides = array<i32>} : memref<224xf32, #tpu.memory_space<vmem>>, vector<16xf32>,
      %scan3A_79 = arith.constant 0 : i32
      scf.yield %scan3A_79 : i32
    }
    %scan3A_15 = arith.constant 14 : i32
    %scan3A_16 = arith.constant 0 : i32
    %scan3A_17 = arith.constant 0 : i32
    %scan3A_18 = arith.constant 14 : i32
    %scan3A_19 = arith.addi %scan3A_17, %scan3A_18 : i32
    %scan3A_20 = arith.constant 1 : i32
    %scan3A_21 = scf.for %scan3A_23 = %scan3A_17 to %scan3A_19 step %scan3A_20 iter_args(%scan3A_24 = %scan3A_16) -> (i32)  : i32 {
      %mul3A_25 = arith.constant 16 : i32
      %mul3A_26 = arith.muli %scan3A_23, %mul3A_25 : i32
      %get3A = arith.index_cast %mul3A_26 : i32 to index
      %get3A_27 = tpu.vector_load %arg13[%get3A] {strides = array<i32>} : memref<224xf32, #tpu.memory_space<vmem>>, vector<16xf32>,
      %get3A_28 = vector.shape_cast %get3A_27 : vector<16xf32> to vector<16xf32>
      %mul3A_29 = arith.constant 16 : i32
      %mul3A_30 = arith.muli %scan3A_23, %mul3A_29 : i32
      %get3A_31 = arith.index_cast %mul3A_30 : i32 to index
      %get3A_32 = tpu.vector_load %arg14[%get3A_31] {strides = array<i32>} : memref<224xf32, #tpu.memory_space<vmem>>, vector<16xf32>,
      %get3A_33 = vector.shape_cast %get3A_32 : vector<16xf32> to vector<16xf32>
      %mul3A_34 = arith.constant 16 : i32
      %mul3A_35 = arith.muli %scan3A_23, %mul3A_34 : i32
      %get3A_36 = arith.index_cast %mul3A_35 : i32 to index
      %get3A_37 = tpu.vector_load %arg15[%get3A_36] {strides = array<i32>} : memref<224xf32, #tpu.memory_space<vmem>>, vector<16xf32>,
      %get3A_38 = vector.shape_cast %get3A_37 : vector<16xf32> to vector<16xf32>
      %slice3A = vector.extract_strided_slice %get3A_28 {offsets = [0], sizes = [1], strides = [1]} : vector<16xf32> to vector<1xf32>
      %squeeze3A = vector.extract %slice3A[0] : f32 from vector<1xf32>
      %broadcast_in_dim3A = vector.broadcast %squeeze3A : f32 to vector<16xf32>
      %slice3A_39 = vector.extract_strided_slice %get3A_33 {offsets = [0], sizes = [1], strides = [1]} : vector<16xf32> to vector<1xf32>
      %squeeze3A_40 = vector.extract %slice3A_39[0] : f32 from vector<1xf32>
      %broadcast_in_dim3A_41 = vector.broadcast %squeeze3A_40 : f32 to vector<16xf32>
      %slice3A_42 = vector.extract_strided_slice %get3A_38 {offsets = [0], sizes = [1], strides = [1]} : vector<16xf32> to vector<1xf32>
      %squeeze3A_43 = vector.extract %slice3A_42[0] : f32 from vector<1xf32>
      %broadcast_in_dim3A_44 = vector.broadcast %squeeze3A_43 : f32 to vector<16xf32>
      %slice3A_45 = vector.extract_strided_slice %get3A_28 {offsets = [1], sizes = [1], strides = [1]} : vector<16xf32> to vector<1xf32>
      %squeeze3A_46 = vector.extract %slice3A_45[0] : f32 from vector<1xf32>
      %broadcast_in_dim3A_47 = vector.broadcast %squeeze3A_46 : f32 to vector<16xf32>
      %slice3A_48 = vector.extract_strided_slice %get3A_33 {offsets = [1], sizes = [1], strides = [1]} : vector<16xf32> to vector<1xf32>
      %squeeze3A_49 = vector.extract %slice3A_48[0] : f32 from vector<1xf32>
      %broadcast_in_dim3A_50 = vector.broadcast %squeeze3A_49 : f32 to vector<16xf32>
      %slice3A_51 = vector.extract_strided_slice %get3A_38 {offsets = [1], sizes = [1], strides = [1]} : vector<16xf32> to vector<1xf32>
      %squeeze3A_52 = vector.extract %slice3A_51[0] : f32 from vector<1xf32>
      %broadcast_in_dim3A_53 = vector.broadcast %squeeze3A_52 : f32 to vector<16xf32>
      %slice3A_54 = vector.extract_strided_slice %get3A_28 {offsets = [2], sizes = [1], strides = [1]} : vector<16xf32> to vector<1xf32>
      %squeeze3A_55 = vector.extract %slice3A_54[0] : f32 from vector<1xf32>
      %broadcast_in_dim3A_56 = vector.broadcast %squeeze3A_55 : f32 to vector<16xf32>
      %slice3A_57 = vector.extract_strided_slice %get3A_33 {offsets = [2], sizes = [1], strides = [1]} : vector<16xf32> to vector<1xf32>
      %squeeze3A_58 = vector.extract %slice3A_57[0] : f32 from vector<1xf32>
      %broadcast_in_dim3A_59 = vector.broadcast %squeeze3A_58 : f32 to vector<16xf32>
      %slice3A_60 = vector.extract_strided_slice %get3A_38 {offsets = [2], sizes = [1], strides = [1]} : vector<16xf32> to vector<1xf32>
      %squeeze3A_61 = vector.extract %slice3A_60[0] : f32 from vector<1xf32>
      %broadcast_in_dim3A_62 = vector.broadcast %squeeze3A_61 : f32 to vector<16xf32>
      %slice3A_63 = vector.extract_strided_slice %get3A_28 {offsets = [3], sizes = [1], strides = [1]} : vector<16xf32> to vector<1xf32>
      %squeeze3A_64 = vector.extract %slice3A_63[0] : f32 from vector<1xf32>
      %broadcast_in_dim3A_65 = vector.broadcast %squeeze3A_64 : f32 to vector<16xf32>
      %slice3A_66 = vector.extract_strided_slice %get3A_33 {offsets = [3], sizes = [1], strides = [1]} : vector<16xf32> to vector<1xf32>
      %squeeze3A_67 = vector.extract %slice3A_66[0] : f32 from vector<1xf32>
      %broadcast_in_dim3A_68 = vector.broadcast %squeeze3A_67 : f32 to vector<16xf32>
      %slice3A_69 = vector.extract_strided_slice %get3A_38 {offsets = [3], sizes = [1], strides = [1]} : vector<16xf32> to vector<1xf32>
      %squeeze3A_70 = vector.extract %slice3A_69[0] : f32 from vector<1xf32>
      %broadcast_in_dim3A_71 = vector.broadcast %squeeze3A_70 : f32 to vector<16xf32>
      %slice3A_72 = vector.extract_strided_slice %get3A_28 {offsets = [4], sizes = [1], strides = [1]} : vector<16xf32> to vector<1xf32>
      %squeeze3A_73 = vector.extract %slice3A_72[0] : f32 from vector<1xf32>
      %broadcast_in_dim3A_74 = vector.broadcast %squeeze3A_73 : f32 to vector<16xf32>
      %slice3A_75 = vector.extract_strided_slice %get3A_33 {offsets = [4], sizes = [1], strides = [1]} : vector<16xf32> to vector<1xf32>
      %squeeze3A_76 = vector.extract %slice3A_75[0] : f32 from vector<1xf32>
      %broadcast_in_dim3A_77 = vector.broadcast %squeeze3A_76 : f32 to vector<16xf32>
      %slice3A_78 = vector.extract_strided_slice %get3A_38 {offsets = [4], sizes = [1], strides = [1]} : vector<16xf32> to vector<1xf32>
      %squeeze3A_79 = vector.extract %slice3A_78[0] : f32 from vector<1xf32>
      %broadcast_in_dim3A_80 = vector.broadcast %squeeze3A_79 : f32 to vector<16xf32>
      %slice3A_81 = vector.extract_strided_slice %get3A_28 {offsets = [5], sizes = [1], strides = [1]} : vector<16xf32> to vector<1xf32>
      %squeeze3A_82 = vector.extract %slice3A_81[0] : f32 from vector<1xf32>
      %broadcast_in_dim3A_83 = vector.broadcast %squeeze3A_82 : f32 to vector<16xf32>
      %slice3A_84 = vector.extract_strided_slice %get3A_33 {offsets = [5], sizes = [1], strides = [1]} : vector<16xf32> to vector<1xf32>
      %squeeze3A_85 = vector.extract %slice3A_84[0] : f32 from vector<1xf32>
      %broadcast_in_dim3A_86 = vector.broadcast %squeeze3A_85 : f32 to vector<16xf32>
      %slice3A_87 = vector.extract_strided_slice %get3A_38 {offsets = [5], sizes = [1], strides = [1]} : vector<16xf32> to vector<1xf32>
      %squeeze3A_88 = vector.extract %slice3A_87[0] : f32 from vector<1xf32>
      %broadcast_in_dim3A_89 = vector.broadcast %squeeze3A_88 : f32 to vector<16xf32>
      %slice3A_90 = vector.extract_strided_slice %get3A_28 {offsets = [6], sizes = [1], strides = [1]} : vector<16xf32> to vector<1xf32>
      %squeeze3A_91 = vector.extract %slice3A_90[0] : f32 from vector<1xf32>
      %broadcast_in_dim3A_92 = vector.broadcast %squeeze3A_91 : f32 to vector<16xf32>
      %slice3A_93 = vector.extract_strided_slice %get3A_33 {offsets = [6], sizes = [1], strides = [1]} : vector<16xf32> to vector<1xf32>
      %squeeze3A_94 = vector.extract %slice3A_93[0] : f32 from vector<1xf32>
      %broadcast_in_dim3A_95 = vector.broadcast %squeeze3A_94 : f32 to vector<16xf32>
      %slice3A_96 = vector.extract_strided_slice %get3A_38 {offsets = [6], sizes = [1], strides = [1]} : vector<16xf32> to vector<1xf32>
      %squeeze3A_97 = vector.extract %slice3A_96[0] : f32 from vector<1xf32>
      %broadcast_in_dim3A_98 = vector.broadcast %squeeze3A_97 : f32 to vector<16xf32>
      %slice3A_99 = vector.extract_strided_slice %get3A_28 {offsets = [7], sizes = [1], strides = [1]} : vector<16xf32> to vector<1xf32>
      %squeeze3A_100 = vector.extract %slice3A_99[0] : f32 from vector<1xf32>
      %broadcast_in_dim3A_101 = vector.broadcast %squeeze3A_100 : f32 to vector<16xf32>
      %slice3A_102 = vector.extract_strided_slice %get3A_33 {offsets = [7], sizes = [1], strides = [1]} : vector<16xf32> to vector<1xf32>
      %squeeze3A_103 = vector.extract %slice3A_102[0] : f32 from vector<1xf32>
      %broadcast_in_dim3A_104 = vector.broadcast %squeeze3A_103 : f32 to vector<16xf32>
      %slice3A_105 = vector.extract_strided_slice %get3A_38 {offsets = [7], sizes = [1], strides = [1]} : vector<16xf32> to vector<1xf32>
      %squeeze3A_106 = vector.extract %slice3A_105[0] : f32 from vector<1xf32>
      %broadcast_in_dim3A_107 = vector.broadcast %squeeze3A_106 : f32 to vector<16xf32>
      %broadcast_in_dim3A_108 = arith.constant 0x7F800000 : f32
      %broadcast_in_dim3A_109 = vector.broadcast %broadcast_in_dim3A_108 : f32 to vector<16xf32>
      %scan3A_110 = arith.constant 0 : i32
      %scan3A_111 = arith.constant 226 : i32
      %scan3A_112 = arith.addi %scan3A_110, %scan3A_111 : i32
      %scan3A_113 = arith.constant 1 : i32
      %scan3A_114:8 = scf.for %scan3A_372 = %scan3A_110 to %scan3A_112 step %scan3A_113 iter_args(%scan3A_373 = %broadcast_in_dim3A_109, %scan3A_374 = %broadcast_in_dim3A_109, %scan3A_375 = %broadcast_in_dim3A_109, %scan3A_376 = %broadcast_in_dim3A_109, %scan3A_377 = %broadcast_in_dim3A_109, %scan3A_378 = %broadcast_in_dim3A_109, %scan3A_379 = %broadcast_in_dim3A_109, %scan3A_380 = %broadcast_in_dim3A_109) -> (vector<16xf32>, vector<16xf32>, vector<16xf32>, vector<16xf32>, vector<16xf32>, vector<16xf32>, vector<16xf32>, vector<16xf32>)  : i32 {
        %mul3A_381 = arith.constant 16 : i32
        %mul3A_382 = arith.muli %scan3A_372, %mul3A_381 : i32
        %get3A_383 = arith.index_cast %mul3A_382 : i32 to index
        %get3A_384 = tpu.vector_load %arg9[%get3A_383] {strides = array<i32>} : memref<3616xf32, #tpu.memory_space<vmem>>, vector<16xf32>,
        %get3A_385 = vector.shape_cast %get3A_384 : vector<16xf32> to vector<16xf32>
        %mul3A_386 = arith.constant 16 : i32
        %mul3A_387 = arith.muli %scan3A_372, %mul3A_386 : i32
        %get3A_388 = arith.index_cast %mul3A_387 : i32 to index
        %get3A_389 = tpu.vector_load %arg10[%get3A_388] {strides = array<i32>} : memref<3616xf32, #tpu.memory_space<vmem>>, vector<16xf32>,
        %get3A_390 = vector.shape_cast %get3A_389 : vector<16xf32> to vector<16xf32>
        %mul3A_391 = arith.constant 16 : i32
        %mul3A_392 = arith.muli %scan3A_372, %mul3A_391 : i32
        %get3A_393 = arith.index_cast %mul3A_392 : i32 to index
        %get3A_394 = tpu.vector_load %arg11[%get3A_393] {strides = array<i32>} : memref<3616xf32, #tpu.memory_space<vmem>>, vector<16xf32>,
        %get3A_395 = vector.shape_cast %get3A_394 : vector<16xf32> to vector<16xf32>
        %mul3A_396 = arith.constant 16 : i32
        %mul3A_397 = arith.muli %scan3A_372, %mul3A_396 : i32
        %get3A_398 = arith.index_cast %mul3A_397 : i32 to index
        %get3A_399 = tpu.vector_load %arg12[%get3A_398] {strides = array<i32>} : memref<3616xf32, #tpu.memory_space<vmem>>, vector<16xf32>,
        %get3A_400 = vector.shape_cast %get3A_399 : vector<16xf32> to vector<16xf32>
        %mul3A_401 = arith.mulf %broadcast_in_dim3A, %get3A_385 : vector<16xf32>
        %mul3A_402 = arith.mulf %broadcast_in_dim3A_41, %get3A_390 : vector<16xf32>
        %add3A_403 = arith.addf %mul3A_401, %mul3A_402 : vector<16xf32>
        %mul3A_404 = arith.mulf %broadcast_in_dim3A_44, %get3A_395 : vector<16xf32>
        %add3A_405 = arith.addf %add3A_403, %mul3A_404 : vector<16xf32>
        %sub3A = arith.subf %get3A_400, %add3A_405 : vector<16xf32>
        %min3A = arith.minimumf %scan3A_373, %sub3A : vector<16xf32>
        %mul3A_406 = arith.mulf %broadcast_in_dim3A_47, %get3A_385 : vector<16xf32>
        %mul3A_407 = arith.mulf %broadcast_in_dim3A_50, %get3A_390 : vector<16xf32>
        %add3A_408 = arith.addf %mul3A_406, %mul3A_407 : vector<16xf32>
        %mul3A_409 = arith.mulf %broadcast_in_dim3A_53, %get3A_395 : vector<16xf32>
        %add3A_410 = arith.addf %add3A_408, %mul3A_409 : vector<16xf32>
        %sub3A_411 = arith.subf %get3A_400, %add3A_410 : vector<16xf32>
        %min3A_412 = arith.minimumf %scan3A_374, %sub3A_411 : vector<16xf32>
        %mul3A_413 = arith.mulf %broadcast_in_dim3A_56, %get3A_385 : vector<16xf32>
        %mul3A_414 = arith.mulf %broadcast_in_dim3A_59, %get3A_390 : vector<16xf32>
        %add3A_415 = arith.addf %mul3A_413, %mul3A_414 : vector<16xf32>
        %mul3A_416 = arith.mulf %broadcast_in_dim3A_62, %get3A_395 : vector<16xf32>
        %add3A_417 = arith.addf %add3A_415, %mul3A_416 : vector<16xf32>
        %sub3A_418 = arith.subf %get3A_400, %add3A_417 : vector<16xf32>
        %min3A_419 = arith.minimumf %scan3A_375, %sub3A_418 : vector<16xf32>
        %mul3A_420 = arith.mulf %broadcast_in_dim3A_65, %get3A_385 : vector<16xf32>
        %mul3A_421 = arith.mulf %broadcast_in_dim3A_68, %get3A_390 : vector<16xf32>
        %add3A_422 = arith.addf %mul3A_420, %mul3A_421 : vector<16xf32>
        %mul3A_423 = arith.mulf %broadcast_in_dim3A_71, %get3A_395 : vector<16xf32>
        %add3A_424 = arith.addf %add3A_422, %mul3A_423 : vector<16xf32>
        %sub3A_425 = arith.subf %get3A_400, %add3A_424 : vector<16xf32>
        %min3A_426 = arith.minimumf %scan3A_376, %sub3A_425 : vector<16xf32>
        %mul3A_427 = arith.mulf %broadcast_in_dim3A_74, %get3A_385 : vector<16xf32>
        %mul3A_428 = arith.mulf %broadcast_in_dim3A_77, %get3A_390 : vector<16xf32>
        %add3A_429 = arith.addf %mul3A_427, %mul3A_428 : vector<16xf32>
        %mul3A_430 = arith.mulf %broadcast_in_dim3A_80, %get3A_395 : vector<16xf32>
        %add3A_431 = arith.addf %add3A_429, %mul3A_430 : vector<16xf32>
        %sub3A_432 = arith.subf %get3A_400, %add3A_431 : vector<16xf32>
        %min3A_433 = arith.minimumf %scan3A_377, %sub3A_432 : vector<16xf32>
        %mul3A_434 = arith.mulf %broadcast_in_dim3A_83, %get3A_385 : vector<16xf32>
        %mul3A_435 = arith.mulf %broadcast_in_dim3A_86, %get3A_390 : vector<16xf32>
        %add3A_436 = arith.addf %mul3A_434, %mul3A_435 : vector<16xf32>
        %mul3A_437 = arith.mulf %broadcast_in_dim3A_89, %get3A_395 : vector<16xf32>
        %add3A_438 = arith.addf %add3A_436, %mul3A_437 : vector<16xf32>
        %sub3A_439 = arith.subf %get3A_400, %add3A_438 : vector<16xf32>
        %min3A_440 = arith.minimumf %scan3A_378, %sub3A_439 : vector<16xf32>
        %mul3A_441 = arith.mulf %broadcast_in_dim3A_92, %get3A_385 : vector<16xf32>
        %mul3A_442 = arith.mulf %broadcast_in_dim3A_95, %get3A_390 : vector<16xf32>
        %add3A_443 = arith.addf %mul3A_441, %mul3A_442 : vector<16xf32>
        %mul3A_444 = arith.mulf %broadcast_in_dim3A_98, %get3A_395 : vector<16xf32>
        %add3A_445 = arith.addf %add3A_443, %mul3A_444 : vector<16xf32>
        %sub3A_446 = arith.subf %get3A_400, %add3A_445 : vector<16xf32>
        %min3A_447 = arith.minimumf %scan3A_379, %sub3A_446 : vector<16xf32>
        %mul3A_448 = arith.mulf %broadcast_in_dim3A_101, %get3A_385 : vector<16xf32>
        %mul3A_449 = arith.mulf %broadcast_in_dim3A_104, %get3A_390 : vector<16xf32>
        %add3A_450 = arith.addf %mul3A_448, %mul3A_449 : vector<16xf32>
        %mul3A_451 = arith.mulf %broadcast_in_dim3A_107, %get3A_395 : vector<16xf32>
        %add3A_452 = arith.addf %add3A_450, %mul3A_451 : vector<16xf32>
        %sub3A_453 = arith.subf %get3A_400, %add3A_452 : vector<16xf32>
        %min3A_454 = arith.minimumf %scan3A_380, %sub3A_453 : vector<16xf32>
        scf.yield %min3A, %min3A_412, %min3A_419, %min3A_426, %min3A_433, %min3A_440, %min3A_447, %min3A_454 : vector<16xf32>, vector<16xf32>, vector<16xf32>, vector<16xf32>, vector<16xf32>, vector<16xf32>, vector<16xf32>, vector<16xf32>
      }
      %scan3A_115 = arith.constant 226 : i32
      %mul3A_116 = arith.constant 16 : i32
      %mul3A_117 = arith.muli %scan3A_23, %mul3A_116 : i32
      %add3A_118 = arith.constant 0 : i32
      %add3A_119 = arith.addi %mul3A_117, %add3A_118 : i32
      %add3A_120 = arith.constant 0 : i32
      %add3A_121 = arith.addi %add3A_119, %add3A_120 : i32
      %swap3A = arith.index_cast %add3A_121 : i32 to index
      %swap3A_122 = arith.constant 0 : index
      %swap3A_123 = tpu.vector_load %arg16[%swap3A, %swap3A_122] {strides = array<i32>} : memref<224x16xf32, #tpu.memory_space<vmem>>, vector<1x16xf32>,
      %swap3A_124 = vector.shape_cast %swap3A_123 : vector<1x16xf32> to vector<16xf32>
      %swap3A_125 = vector.shape_cast %scan3A_114#0 : vector<16xf32> to vector<1x16xf32>
      tpu.vector_store %arg16[%swap3A, %swap3A_122], %swap3A_125 {strides = array<i32>} : memref<224x16xf32, #tpu.memory_space<vmem>>, vector<1x16xf32>,
      %mul3A_126 = arith.constant 16 : i32
      %mul3A_127 = arith.muli %scan3A_23, %mul3A_126 : i32
      %add3A_128 = arith.constant 0 : i32
      %add3A_129 = arith.addi %mul3A_127, %add3A_128 : i32
      %add3A_130 = arith.constant 1 : i32
      %add3A_131 = arith.addi %add3A_129, %add3A_130 : i32
      %swap3A_132 = arith.index_cast %add3A_131 : i32 to index
      %swap3A_133 = arith.constant 0 : index
      %swap3A_134 = tpu.vector_load %arg16[%swap3A_132, %swap3A_133] {strides = array<i32>} : memref<224x16xf32, #tpu.memory_space<vmem>>, vector<1x16xf32>,
      %swap3A_135 = vector.shape_cast %swap3A_134 : vector<1x16xf32> to vector<16xf32>
      %swap3A_136 = vector.shape_cast %scan3A_114#1 : vector<16xf32> to vector<1x16xf32>
      tpu.vector_store %arg16[%swap3A_132, %swap3A_133], %swap3A_136 {strides = array<i32>} : memref<224x16xf32, #tpu.memory_space<vmem>>, vector<1x16xf32>,
      %mul3A_137 = arith.constant 16 : i32
      %mul3A_138 = arith.muli %scan3A_23, %mul3A_137 : i32
      %add3A_139 = arith.constant 0 : i32
      %add3A_140 = arith.addi %mul3A_138, %add3A_139 : i32
      %add3A_141 = arith.constant 2 : i32
      %add3A_142 = arith.addi %add3A_140, %add3A_141 : i32
      %swap3A_143 = arith.index_cast %add3A_142 : i32 to index
      %swap3A_144 = arith.constant 0 : index
      %swap3A_145 = tpu.vector_load %arg16[%swap3A_143, %swap3A_144] {strides = array<i32>} : memref<224x16xf32, #tpu.memory_space<vmem>>, vector<1x16xf32>,
      %swap3A_146 = vector.shape_cast %swap3A_145 : vector<1x16xf32> to vector<16xf32>
      %swap3A_147 = vector.shape_cast %scan3A_114#2 : vector<16xf32> to vector<1x16xf32>
      tpu.vector_store %arg16[%swap3A_143, %swap3A_144], %swap3A_147 {strides = array<i32>} : memref<224x16xf32, #tpu.memory_space<vmem>>, vector<1x16xf32>,
      %mul3A_148 = arith.constant 16 : i32
      %mul3A_149 = arith.muli %scan3A_23, %mul3A_148 : i32
      %add3A_150 = arith.constant 0 : i32
      %add3A_151 = arith.addi %mul3A_149, %add3A_150 : i32
      %add3A_152 = arith.constant 3 : i32
      %add3A_153 = arith.addi %add3A_151, %add3A_152 : i32
      %swap3A_154 = arith.index_cast %add3A_153 : i32 to index
      %swap3A_155 = arith.constant 0 : index
      %swap3A_156 = tpu.vector_load %arg16[%swap3A_154, %swap3A_155] {strides = array<i32>} : memref<224x16xf32, #tpu.memory_space<vmem>>, vector<1x16xf32>,
      %swap3A_157 = vector.shape_cast %swap3A_156 : vector<1x16xf32> to vector<16xf32>
      %swap3A_158 = vector.shape_cast %scan3A_114#3 : vector<16xf32> to vector<1x16xf32>
      tpu.vector_store %arg16[%swap3A_154, %swap3A_155], %swap3A_158 {strides = array<i32>} : memref<224x16xf32, #tpu.memory_space<vmem>>, vector<1x16xf32>,
      %mul3A_159 = arith.constant 16 : i32
      %mul3A_160 = arith.muli %scan3A_23, %mul3A_159 : i32
      %add3A_161 = arith.constant 0 : i32
      %add3A_162 = arith.addi %mul3A_160, %add3A_161 : i32
      %add3A_163 = arith.constant 4 : i32
      %add3A_164 = arith.addi %add3A_162, %add3A_163 : i32
      %swap3A_165 = arith.index_cast %add3A_164 : i32 to index
      %swap3A_166 = arith.constant 0 : index
      %swap3A_167 = tpu.vector_load %arg16[%swap3A_165, %swap3A_166] {strides = array<i32>} : memref<224x16xf32, #tpu.memory_space<vmem>>, vector<1x16xf32>,
      %swap3A_168 = vector.shape_cast %swap3A_167 : vector<1x16xf32> to vector<16xf32>
      %swap3A_169 = vector.shape_cast %scan3A_114#4 : vector<16xf32> to vector<1x16xf32>
      tpu.vector_store %arg16[%swap3A_165, %swap3A_166], %swap3A_169 {strides = array<i32>} : memref<224x16xf32, #tpu.memory_space<vmem>>, vector<1x16xf32>,
      %mul3A_170 = arith.constant 16 : i32
      %mul3A_171 = arith.muli %scan3A_23, %mul3A_170 : i32
      %add3A_172 = arith.constant 0 : i32
      %add3A_173 = arith.addi %mul3A_171, %add3A_172 : i32
      %add3A_174 = arith.constant 5 : i32
      %add3A_175 = arith.addi %add3A_173, %add3A_174 : i32
      %swap3A_176 = arith.index_cast %add3A_175 : i32 to index
      %swap3A_177 = arith.constant 0 : index
      %swap3A_178 = tpu.vector_load %arg16[%swap3A_176, %swap3A_177] {strides = array<i32>} : memref<224x16xf32, #tpu.memory_space<vmem>>, vector<1x16xf32>,
      %swap3A_179 = vector.shape_cast %swap3A_178 : vector<1x16xf32> to vector<16xf32>
      %swap3A_180 = vector.shape_cast %scan3A_114#5 : vector<16xf32> to vector<1x16xf32>
      tpu.vector_store %arg16[%swap3A_176, %swap3A_177], %swap3A_180 {strides = array<i32>} : memref<224x16xf32, #tpu.memory_space<vmem>>, vector<1x16xf32>,
      %mul3A_181 = arith.constant 16 : i32
      %mul3A_182 = arith.muli %scan3A_23, %mul3A_181 : i32
      %add3A_183 = arith.constant 0 : i32
      %add3A_184 = arith.addi %mul3A_182, %add3A_183 : i32
      %add3A_185 = arith.constant 6 : i32
      %add3A_186 = arith.addi %add3A_184, %add3A_185 : i32
      %swap3A_187 = arith.index_cast %add3A_186 : i32 to index
      %swap3A_188 = arith.constant 0 : index
      %swap3A_189 = tpu.vector_load %arg16[%swap3A_187, %swap3A_188] {strides = array<i32>} : memref<224x16xf32, #tpu.memory_space<vmem>>, vector<1x16xf32>,
      %swap3A_190 = vector.shape_cast %swap3A_189 : vector<1x16xf32> to vector<16xf32>
      %swap3A_191 = vector.shape_cast %scan3A_114#6 : vector<16xf32> to vector<1x16xf32>
      tpu.vector_store %arg16[%swap3A_187, %swap3A_188], %swap3A_191 {strides = array<i32>} : memref<224x16xf32, #tpu.memory_space<vmem>>, vector<1x16xf32>,
      %mul3A_192 = arith.constant 16 : i32
      %mul3A_193 = arith.muli %scan3A_23, %mul3A_192 : i32
      %add3A_194 = arith.constant 0 : i32
      %add3A_195 = arith.addi %mul3A_193, %add3A_194 : i32
      %add3A_196 = arith.constant 7 : i32
      %add3A_197 = arith.addi %add3A_195, %add3A_196 : i32
      %swap3A_198 = arith.index_cast %add3A_197 : i32 to index
      %swap3A_199 = arith.constant 0 : index
      %swap3A_200 = tpu.vector_load %arg16[%swap3A_198, %swap3A_199] {strides = array<i32>} : memref<224x16xf32, #tpu.memory_space<vmem>>, vector<1x16xf32>,
      %swap3A_201 = vector.shape_cast %swap3A_200 : vector<1x16xf32> to vector<16xf32>
      %swap3A_202 = vector.shape_cast %scan3A_114#7 : vector<16xf32> to vector<1x16xf32>
      tpu.vector_store %arg16[%swap3A_198, %swap3A_199], %swap3A_202 {strides = array<i32>} : memref<224x16xf32, #tpu.memory_space<vmem>>, vector<1x16xf32>,
      %slice3A_203 = vector.extract_strided_slice %get3A_28 {offsets = [8], sizes = [1], strides = [1]} : vector<16xf32> to vector<1xf32>
      %squeeze3A_204 = vector.extract %slice3A_203[0] : f32 from vector<1xf32>
      %broadcast_in_dim3A_205 = vector.broadcast %squeeze3A_204 : f32 to vector<16xf32>
      %slice3A_206 = vector.extract_strided_slice %get3A_33 {offsets = [8], sizes = [1], strides = [1]} : vector<16xf32> to vector<1xf32>
      %squeeze3A_207 = vector.extract %slice3A_206[0] : f32 from vector<1xf32>
      %broadcast_in_dim3A_208 = vector.broadcast %squeeze3A_207 : f32 to vector<16xf32>
      %slice3A_209 = vector.extract_strided_slice %get3A_38 {offsets = [8], sizes = [1], strides = [1]} : vector<16xf32> to vector<1xf32>
      %squeeze3A_210 = vector.extract %slice3A_209[0] : f32 from vector<1xf32>
      %broadcast_in_dim3A_211 = vector.broadcast %squeeze3A_210 : f32 to vector<16xf32>
      %slice3A_212 = vector.extract_strided_slice %get3A_28 {offsets = [9], sizes = [1], strides = [1]} : vector<16xf32> to vector<1xf32>
      %squeeze3A_213 = vector.extract %slice3A_212[0] : f32 from vector<1xf32>
      %broadcast_in_dim3A_214 = vector.broadcast %squeeze3A_213 : f32 to vector<16xf32>
      %slice3A_215 = vector.extract_strided_slice %get3A_33 {offsets = [9], sizes = [1], strides = [1]} : vector<16xf32> to vector<1xf32>
      %squeeze3A_216 = vector.extract %slice3A_215[0] : f32 from vector<1xf32>
      %broadcast_in_dim3A_217 = vector.broadcast %squeeze3A_216 : f32 to vector<16xf32>
      %slice3A_218 = vector.extract_strided_slice %get3A_38 {offsets = [9], sizes = [1], strides = [1]} : vector<16xf32> to vector<1xf32>
      %squeeze3A_219 = vector.extract %slice3A_218[0] : f32 from vector<1xf32>
      %broadcast_in_dim3A_220 = vector.broadcast %squeeze3A_219 : f32 to vector<16xf32>
      %slice3A_221 = vector.extract_strided_slice %get3A_28 {offsets = [10], sizes = [1], strides = [1]} : vector<16xf32> to vector<1xf32>
      %squeeze3A_222 = vector.extract %slice3A_221[0] : f32 from vector<1xf32>
      %broadcast_in_dim3A_223 = vector.broadcast %squeeze3A_222 : f32 to vector<16xf32>
      %slice3A_224 = vector.extract_strided_slice %get3A_33 {offsets = [10], sizes = [1], strides = [1]} : vector<16xf32> to vector<1xf32>
      %squeeze3A_225 = vector.extract %slice3A_224[0] : f32 from vector<1xf32>
      %broadcast_in_dim3A_226 = vector.broadcast %squeeze3A_225 : f32 to vector<16xf32>
      %slice3A_227 = vector.extract_strided_slice %get3A_38 {offsets = [10], sizes = [1], strides = [1]} : vector<16xf32> to vector<1xf32>
      %squeeze3A_228 = vector.extract %slice3A_227[0] : f32 from vector<1xf32>
      %broadcast_in_dim3A_229 = vector.broadcast %squeeze3A_228 : f32 to vector<16xf32>
      %slice3A_230 = vector.extract_strided_slice %get3A_28 {offsets = [11], sizes = [1], strides = [1]} : vector<16xf32> to vector<1xf32>
      %squeeze3A_231 = vector.extract %slice3A_230[0] : f32 from vector<1xf32>
      %broadcast_in_dim3A_232 = vector.broadcast %squeeze3A_231 : f32 to vector<16xf32>
      %slice3A_233 = vector.extract_strided_slice %get3A_33 {offsets = [11], sizes = [1], strides = [1]} : vector<16xf32> to vector<1xf32>
      %squeeze3A_234 = vector.extract %slice3A_233[0] : f32 from vector<1xf32>
      %broadcast_in_dim3A_235 = vector.broadcast %squeeze3A_234 : f32 to vector<16xf32>
      %slice3A_236 = vector.extract_strided_slice %get3A_38 {offsets = [11], sizes = [1], strides = [1]} : vector<16xf32> to vector<1xf32>
      %squeeze3A_237 = vector.extract %slice3A_236[0] : f32 from vector<1xf32>
      %broadcast_in_dim3A_238 = vector.broadcast %squeeze3A_237 : f32 to vector<16xf32>
      %slice3A_239 = vector.extract_strided_slice %get3A_28 {offsets = [12], sizes = [1], strides = [1]} : vector<16xf32> to vector<1xf32>
      %squeeze3A_240 = vector.extract %slice3A_239[0] : f32 from vector<1xf32>
      %broadcast_in_dim3A_241 = vector.broadcast %squeeze3A_240 : f32 to vector<16xf32>
      %slice3A_242 = vector.extract_strided_slice %get3A_33 {offsets = [12], sizes = [1], strides = [1]} : vector<16xf32> to vector<1xf32>
      %squeeze3A_243 = vector.extract %slice3A_242[0] : f32 from vector<1xf32>
      %broadcast_in_dim3A_244 = vector.broadcast %squeeze3A_243 : f32 to vector<16xf32>
      %slice3A_245 = vector.extract_strided_slice %get3A_38 {offsets = [12], sizes = [1], strides = [1]} : vector<16xf32> to vector<1xf32>
      %squeeze3A_246 = vector.extract %slice3A_245[0] : f32 from vector<1xf32>
      %broadcast_in_dim3A_247 = vector.broadcast %squeeze3A_246 : f32 to vector<16xf32>
      %slice3A_248 = vector.extract_strided_slice %get3A_28 {offsets = [13], sizes = [1], strides = [1]} : vector<16xf32> to vector<1xf32>
      %squeeze3A_249 = vector.extract %slice3A_248[0] : f32 from vector<1xf32>
      %broadcast_in_dim3A_250 = vector.broadcast %squeeze3A_249 : f32 to vector<16xf32>
      %slice3A_251 = vector.extract_strided_slice %get3A_33 {offsets = [13], sizes = [1], strides = [1]} : vector<16xf32> to vector<1xf32>
      %squeeze3A_252 = vector.extract %slice3A_251[0] : f32 from vector<1xf32>
      %broadcast_in_dim3A_253 = vector.broadcast %squeeze3A_252 : f32 to vector<16xf32>
      %slice3A_254 = vector.extract_strided_slice %get3A_38 {offsets = [13], sizes = [1], strides = [1]} : vector<16xf32> to vector<1xf32>
      %squeeze3A_255 = vector.extract %slice3A_254[0] : f32 from vector<1xf32>
      %broadcast_in_dim3A_256 = vector.broadcast %squeeze3A_255 : f32 to vector<16xf32>
      %slice3A_257 = vector.extract_strided_slice %get3A_28 {offsets = [14], sizes = [1], strides = [1]} : vector<16xf32> to vector<1xf32>
      %squeeze3A_258 = vector.extract %slice3A_257[0] : f32 from vector<1xf32>
      %broadcast_in_dim3A_259 = vector.broadcast %squeeze3A_258 : f32 to vector<16xf32>
      %slice3A_260 = vector.extract_strided_slice %get3A_33 {offsets = [14], sizes = [1], strides = [1]} : vector<16xf32> to vector<1xf32>
      %squeeze3A_261 = vector.extract %slice3A_260[0] : f32 from vector<1xf32>
      %broadcast_in_dim3A_262 = vector.broadcast %squeeze3A_261 : f32 to vector<16xf32>
      %slice3A_263 = vector.extract_strided_slice %get3A_38 {offsets = [14], sizes = [1], strides = [1]} : vector<16xf32> to vector<1xf32>
      %squeeze3A_264 = vector.extract %slice3A_263[0] : f32 from vector<1xf32>
      %broadcast_in_dim3A_265 = vector.broadcast %squeeze3A_264 : f32 to vector<16xf32>
      %slice3A_266 = vector.extract_strided_slice %get3A_28 {offsets = [15], sizes = [1], strides = [1]} : vector<16xf32> to vector<1xf32>
      %squeeze3A_267 = vector.extract %slice3A_266[0] : f32 from vector<1xf32>
      %broadcast_in_dim3A_268 = vector.broadcast %squeeze3A_267 : f32 to vector<16xf32>
      %slice3A_269 = vector.extract_strided_slice %get3A_33 {offsets = [15], sizes = [1], strides = [1]} : vector<16xf32> to vector<1xf32>
      %squeeze3A_270 = vector.extract %slice3A_269[0] : f32 from vector<1xf32>
      %broadcast_in_dim3A_271 = vector.broadcast %squeeze3A_270 : f32 to vector<16xf32>
      %slice3A_272 = vector.extract_strided_slice %get3A_38 {offsets = [15], sizes = [1], strides = [1]} : vector<16xf32> to vector<1xf32>
      %squeeze3A_273 = vector.extract %slice3A_272[0] : f32 from vector<1xf32>
      %broadcast_in_dim3A_274 = vector.broadcast %squeeze3A_273 : f32 to vector<16xf32>
      %broadcast_in_dim3A_275 = arith.constant 0x7F800000 : f32
      %broadcast_in_dim3A_276 = vector.broadcast %broadcast_in_dim3A_275 : f32 to vector<16xf32>
      %scan3A_277 = arith.constant 0 : i32
      %scan3A_278 = arith.constant 226 : i32
      %scan3A_279 = arith.addi %scan3A_277, %scan3A_278 : i32
      %scan3A_280 = arith.constant 1 : i32
      %scan3A_281:8 = scf.for %scan3A_372 = %scan3A_277 to %scan3A_279 step %scan3A_280 iter_args(%scan3A_373 = %broadcast_in_dim3A_276, %scan3A_374 = %broadcast_in_dim3A_276, %scan3A_375 = %broadcast_in_dim3A_276, %scan3A_376 = %broadcast_in_dim3A_276, %scan3A_377 = %broadcast_in_dim3A_276, %scan3A_378 = %broadcast_in_dim3A_276, %scan3A_379 = %broadcast_in_dim3A_276, %scan3A_380 = %broadcast_in_dim3A_276) -> (vector<16xf32>, vector<16xf32>, vector<16xf32>, vector<16xf32>, vector<16xf32>, vector<16xf32>, vector<16xf32>, vector<16xf32>)  : i32 {
        %mul3A_381 = arith.constant 16 : i32
        %mul3A_382 = arith.muli %scan3A_372, %mul3A_381 : i32
        %get3A_383 = arith.index_cast %mul3A_382 : i32 to index
        %get3A_384 = tpu.vector_load %arg9[%get3A_383] {strides = array<i32>} : memref<3616xf32, #tpu.memory_space<vmem>>, vector<16xf32>,
        %get3A_385 = vector.shape_cast %get3A_384 : vector<16xf32> to vector<16xf32>
        %mul3A_386 = arith.constant 16 : i32
        %mul3A_387 = arith.muli %scan3A_372, %mul3A_386 : i32
        %get3A_388 = arith.index_cast %mul3A_387 : i32 to index
        %get3A_389 = tpu.vector_load %arg10[%get3A_388] {strides = array<i32>} : memref<3616xf32, #tpu.memory_space<vmem>>, vector<16xf32>,
        %get3A_390 = vector.shape_cast %get3A_389 : vector<16xf32> to vector<16xf32>
        %mul3A_391 = arith.constant 16 : i32
        %mul3A_392 = arith.muli %scan3A_372, %mul3A_391 : i32
        %get3A_393 = arith.index_cast %mul3A_392 : i32 to index
        %get3A_394 = tpu.vector_load %arg11[%get3A_393] {strides = array<i32>} : memref<3616xf32, #tpu.memory_space<vmem>>, vector<16xf32>,
        %get3A_395 = vector.shape_cast %get3A_394 : vector<16xf32> to vector<16xf32>
        %mul3A_396 = arith.constant 16 : i32
        %mul3A_397 = arith.muli %scan3A_372, %mul3A_396 : i32
        %get3A_398 = arith.index_cast %mul3A_397 : i32 to index
        %get3A_399 = tpu.vector_load %arg12[%get3A_398] {strides = array<i32>} : memref<3616xf32, #tpu.memory_space<vmem>>, vector<16xf32>,
        %get3A_400 = vector.shape_cast %get3A_399 : vector<16xf32> to vector<16xf32>
        %mul3A_401 = arith.mulf %broadcast_in_dim3A_205, %get3A_385 : vector<16xf32>
        %mul3A_402 = arith.mulf %broadcast_in_dim3A_208, %get3A_390 : vector<16xf32>
        %add3A_403 = arith.addf %mul3A_401, %mul3A_402 : vector<16xf32>
        %mul3A_404 = arith.mulf %broadcast_in_dim3A_211, %get3A_395 : vector<16xf32>
        %add3A_405 = arith.addf %add3A_403, %mul3A_404 : vector<16xf32>
        %sub3A = arith.subf %get3A_400, %add3A_405 : vector<16xf32>
        %min3A = arith.minimumf %scan3A_373, %sub3A : vector<16xf32>
        %mul3A_406 = arith.mulf %broadcast_in_dim3A_214, %get3A_385 : vector<16xf32>
        %mul3A_407 = arith.mulf %broadcast_in_dim3A_217, %get3A_390 : vector<16xf32>
        %add3A_408 = arith.addf %mul3A_406, %mul3A_407 : vector<16xf32>
        %mul3A_409 = arith.mulf %broadcast_in_dim3A_220, %get3A_395 : vector<16xf32>
        %add3A_410 = arith.addf %add3A_408, %mul3A_409 : vector<16xf32>
        %sub3A_411 = arith.subf %get3A_400, %add3A_410 : vector<16xf32>
        %min3A_412 = arith.minimumf %scan3A_374, %sub3A_411 : vector<16xf32>
        %mul3A_413 = arith.mulf %broadcast_in_dim3A_223, %get3A_385 : vector<16xf32>
        %mul3A_414 = arith.mulf %broadcast_in_dim3A_226, %get3A_390 : vector<16xf32>
        %add3A_415 = arith.addf %mul3A_413, %mul3A_414 : vector<16xf32>
        %mul3A_416 = arith.mulf %broadcast_in_dim3A_229, %get3A_395 : vector<16xf32>
        %add3A_417 = arith.addf %add3A_415, %mul3A_416 : vector<16xf32>
        %sub3A_418 = arith.subf %get3A_400, %add3A_417 : vector<16xf32>
        %min3A_419 = arith.minimumf %scan3A_375, %sub3A_418 : vector<16xf32>
        %mul3A_420 = arith.mulf %broadcast_in_dim3A_232, %get3A_385 : vector<16xf32>
        %mul3A_421 = arith.mulf %broadcast_in_dim3A_235, %get3A_390 : vector<16xf32>
        %add3A_422 = arith.addf %mul3A_420, %mul3A_421 : vector<16xf32>
        %mul3A_423 = arith.mulf %broadcast_in_dim3A_238, %get3A_395 : vector<16xf32>
        %add3A_424 = arith.addf %add3A_422, %mul3A_423 : vector<16xf32>
        %sub3A_425 = arith.subf %get3A_400, %add3A_424 : vector<16xf32>
        %min3A_426 = arith.minimumf %scan3A_376, %sub3A_425 : vector<16xf32>
        %mul3A_427 = arith.mulf %broadcast_in_dim3A_241, %get3A_385 : vector<16xf32>
        %mul3A_428 = arith.mulf %broadcast_in_dim3A_244, %get3A_390 : vector<16xf32>
        %add3A_429 = arith.addf %mul3A_427, %mul3A_428 : vector<16xf32>
        %mul3A_430 = arith.mulf %broadcast_in_dim3A_247, %get3A_395 : vector<16xf32>
        %add3A_431 = arith.addf %add3A_429, %mul3A_430 : vector<16xf32>
        %sub3A_432 = arith.subf %get3A_400, %add3A_431 : vector<16xf32>
        %min3A_433 = arith.minimumf %scan3A_377, %sub3A_432 : vector<16xf32>
        %mul3A_434 = arith.mulf %broadcast_in_dim3A_250, %get3A_385 : vector<16xf32>
        %mul3A_435 = arith.mulf %broadcast_in_dim3A_253, %get3A_390 : vector<16xf32>
        %add3A_436 = arith.addf %mul3A_434, %mul3A_435 : vector<16xf32>
        %mul3A_437 = arith.mulf %broadcast_in_dim3A_256, %get3A_395 : vector<16xf32>
        %add3A_438 = arith.addf %add3A_436, %mul3A_437 : vector<16xf32>
        %sub3A_439 = arith.subf %get3A_400, %add3A_438 : vector<16xf32>
        %min3A_440 = arith.minimumf %scan3A_378, %sub3A_439 : vector<16xf32>
        %mul3A_441 = arith.mulf %broadcast_in_dim3A_259, %get3A_385 : vector<16xf32>
        %mul3A_442 = arith.mulf %broadcast_in_dim3A_262, %get3A_390 : vector<16xf32>
        %add3A_443 = arith.addf %mul3A_441, %mul3A_442 : vector<16xf32>
        %mul3A_444 = arith.mulf %broadcast_in_dim3A_265, %get3A_395 : vector<16xf32>
        %add3A_445 = arith.addf %add3A_443, %mul3A_444 : vector<16xf32>
        %sub3A_446 = arith.subf %get3A_400, %add3A_445 : vector<16xf32>
        %min3A_447 = arith.minimumf %scan3A_379, %sub3A_446 : vector<16xf32>
        %mul3A_448 = arith.mulf %broadcast_in_dim3A_268, %get3A_385 : vector<16xf32>
        %mul3A_449 = arith.mulf %broadcast_in_dim3A_271, %get3A_390 : vector<16xf32>
        %add3A_450 = arith.addf %mul3A_448, %mul3A_449 : vector<16xf32>
        %mul3A_451 = arith.mulf %broadcast_in_dim3A_274, %get3A_395 : vector<16xf32>
        %add3A_452 = arith.addf %add3A_450, %mul3A_451 : vector<16xf32>
        %sub3A_453 = arith.subf %get3A_400, %add3A_452 : vector<16xf32>
        %min3A_454 = arith.minimumf %scan3A_380, %sub3A_453 : vector<16xf32>
        scf.yield %min3A, %min3A_412, %min3A_419, %min3A_426, %min3A_433, %min3A_440, %min3A_447, %min3A_454 : vector<16xf32>, vector<16xf32>, vector<16xf32>, vector<16xf32>, vector<16xf32>, vector<16xf32>, vector<16xf32>, vector<16xf32>
      }
      %scan3A_282 = arith.constant 226 : i32
      %mul3A_283 = arith.constant 16 : i32
      %mul3A_284 = arith.muli %scan3A_23, %mul3A_283 : i32
      %add3A_285 = arith.constant 8 : i32
      %add3A_286 = arith.addi %mul3A_284, %add3A_285 : i32
      %add3A_287 = arith.constant 0 : i32
      %add3A_288 = arith.addi %add3A_286, %add3A_287 : i32
      %swap3A_289 = arith.index_cast %add3A_288 : i32 to index
      %swap3A_290 = arith.constant 0 : index
      %swap3A_291 = tpu.vector_load %arg16[%swap3A_289, %swap3A_290] {strides = array<i32>} : memref<224x16xf32, #tpu.memory_space<vmem>>, vector<1x16xf32>,
      %swap3A_292 = vector.shape_cast %swap3A_291 : vector<1x16xf32> to vector<16xf32>
      %swap3A_293 = vector.shape_cast %scan3A_281#0 : vector<16xf32> to vector<1x16xf32>
      tpu.vector_store %arg16[%swap3A_289, %swap3A_290], %swap3A_293 {strides = array<i32>} : memref<224x16xf32, #tpu.memory_space<vmem>>, vector<1x16xf32>,
      %mul3A_294 = arith.constant 16 : i32
      %mul3A_295 = arith.muli %scan3A_23, %mul3A_294 : i32
      %add3A_296 = arith.constant 8 : i32
      %add3A_297 = arith.addi %mul3A_295, %add3A_296 : i32
      %add3A_298 = arith.constant 1 : i32
      %add3A_299 = arith.addi %add3A_297, %add3A_298 : i32
      %swap3A_300 = arith.index_cast %add3A_299 : i32 to index
      %swap3A_301 = arith.constant 0 : index
      %swap3A_302 = tpu.vector_load %arg16[%swap3A_300, %swap3A_301] {strides = array<i32>} : memref<224x16xf32, #tpu.memory_space<vmem>>, vector<1x16xf32>,
      %swap3A_303 = vector.shape_cast %swap3A_302 : vector<1x16xf32> to vector<16xf32>
      %swap3A_304 = vector.shape_cast %scan3A_281#1 : vector<16xf32> to vector<1x16xf32>
      tpu.vector_store %arg16[%swap3A_300, %swap3A_301], %swap3A_304 {strides = array<i32>} : memref<224x16xf32, #tpu.memory_space<vmem>>, vector<1x16xf32>,
      %mul3A_305 = arith.constant 16 : i32
      %mul3A_306 = arith.muli %scan3A_23, %mul3A_305 : i32
      %add3A_307 = arith.constant 8 : i32
      %add3A_308 = arith.addi %mul3A_306, %add3A_307 : i32
      %add3A_309 = arith.constant 2 : i32
      %add3A_310 = arith.addi %add3A_308, %add3A_309 : i32
      %swap3A_311 = arith.index_cast %add3A_310 : i32 to index
      %swap3A_312 = arith.constant 0 : index
      %swap3A_313 = tpu.vector_load %arg16[%swap3A_311, %swap3A_312] {strides = array<i32>} : memref<224x16xf32, #tpu.memory_space<vmem>>, vector<1x16xf32>,
      %swap3A_314 = vector.shape_cast %swap3A_313 : vector<1x16xf32> to vector<16xf32>
      %swap3A_315 = vector.shape_cast %scan3A_281#2 : vector<16xf32> to vector<1x16xf32>
      tpu.vector_store %arg16[%swap3A_311, %swap3A_312], %swap3A_315 {strides = array<i32>} : memref<224x16xf32, #tpu.memory_space<vmem>>, vector<1x16xf32>,
      %mul3A_316 = arith.constant 16 : i32
      %mul3A_317 = arith.muli %scan3A_23, %mul3A_316 : i32
      %add3A_318 = arith.constant 8 : i32
      %add3A_319 = arith.addi %mul3A_317, %add3A_318 : i32
      %add3A_320 = arith.constant 3 : i32
      %add3A_321 = arith.addi %add3A_319, %add3A_320 : i32
      %swap3A_322 = arith.index_cast %add3A_321 : i32 to index
      %swap3A_323 = arith.constant 0 : index
      %swap3A_324 = tpu.vector_load %arg16[%swap3A_322, %swap3A_323] {strides = array<i32>} : memref<224x16xf32, #tpu.memory_space<vmem>>, vector<1x16xf32>,
      %swap3A_325 = vector.shape_cast %swap3A_324 : vector<1x16xf32> to vector<16xf32>
      %swap3A_326 = vector.shape_cast %scan3A_281#3 : vector<16xf32> to vector<1x16xf32>
      tpu.vector_store %arg16[%swap3A_322, %swap3A_323], %swap3A_326 {strides = array<i32>} : memref<224x16xf32, #tpu.memory_space<vmem>>, vector<1x16xf32>,
      %mul3A_327 = arith.constant 16 : i32
      %mul3A_328 = arith.muli %scan3A_23, %mul3A_327 : i32
      %add3A_329 = arith.constant 8 : i32
      %add3A_330 = arith.addi %mul3A_328, %add3A_329 : i32
      %add3A_331 = arith.constant 4 : i32
      %add3A_332 = arith.addi %add3A_330, %add3A_331 : i32
      %swap3A_333 = arith.index_cast %add3A_332 : i32 to index
      %swap3A_334 = arith.constant 0 : index
      %swap3A_335 = tpu.vector_load %arg16[%swap3A_333, %swap3A_334] {strides = array<i32>} : memref<224x16xf32, #tpu.memory_space<vmem>>, vector<1x16xf32>,
      %swap3A_336 = vector.shape_cast %swap3A_335 : vector<1x16xf32> to vector<16xf32>
      %swap3A_337 = vector.shape_cast %scan3A_281#4 : vector<16xf32> to vector<1x16xf32>
      tpu.vector_store %arg16[%swap3A_333, %swap3A_334], %swap3A_337 {strides = array<i32>} : memref<224x16xf32, #tpu.memory_space<vmem>>, vector<1x16xf32>,
      %mul3A_338 = arith.constant 16 : i32
      %mul3A_339 = arith.muli %scan3A_23, %mul3A_338 : i32
      %add3A_340 = arith.constant 8 : i32
      %add3A_341 = arith.addi %mul3A_339, %add3A_340 : i32
      %add3A_342 = arith.constant 5 : i32
      %add3A_343 = arith.addi %add3A_341, %add3A_342 : i32
      %swap3A_344 = arith.index_cast %add3A_343 : i32 to index
      %swap3A_345 = arith.constant 0 : index
      %swap3A_346 = tpu.vector_load %arg16[%swap3A_344, %swap3A_345] {strides = array<i32>} : memref<224x16xf32, #tpu.memory_space<vmem>>, vector<1x16xf32>,
      %swap3A_347 = vector.shape_cast %swap3A_346 : vector<1x16xf32> to vector<16xf32>
      %swap3A_348 = vector.shape_cast %scan3A_281#5 : vector<16xf32> to vector<1x16xf32>
      tpu.vector_store %arg16[%swap3A_344, %swap3A_345], %swap3A_348 {strides = array<i32>} : memref<224x16xf32, #tpu.memory_space<vmem>>, vector<1x16xf32>,
      %mul3A_349 = arith.constant 16 : i32
      %mul3A_350 = arith.muli %scan3A_23, %mul3A_349 : i32
      %add3A_351 = arith.constant 8 : i32
      %add3A_352 = arith.addi %mul3A_350, %add3A_351 : i32
      %add3A_353 = arith.constant 6 : i32
      %add3A_354 = arith.addi %add3A_352, %add3A_353 : i32
      %swap3A_355 = arith.index_cast %add3A_354 : i32 to index
      %swap3A_356 = arith.constant 0 : index
      %swap3A_357 = tpu.vector_load %arg16[%swap3A_355, %swap3A_356] {strides = array<i32>} : memref<224x16xf32, #tpu.memory_space<vmem>>, vector<1x16xf32>,
      %swap3A_358 = vector.shape_cast %swap3A_357 : vector<1x16xf32> to vector<16xf32>
      %swap3A_359 = vector.shape_cast %scan3A_281#6 : vector<16xf32> to vector<1x16xf32>
      tpu.vector_store %arg16[%swap3A_355, %swap3A_356], %swap3A_359 {strides = array<i32>} : memref<224x16xf32, #tpu.memory_space<vmem>>, vector<1x16xf32>,
      %mul3A_360 = arith.constant 16 : i32
      %mul3A_361 = arith.muli %scan3A_23, %mul3A_360 : i32
      %add3A_362 = arith.constant 8 : i32
      %add3A_363 = arith.addi %mul3A_361, %add3A_362 : i32
      %add3A_364 = arith.constant 7 : i32
      %add3A_365 = arith.addi %add3A_363, %add3A_364 : i32
      %swap3A_366 = arith.index_cast %add3A_365 : i32 to index
      %swap3A_367 = arith.constant 0 : index
      %swap3A_368 = tpu.vector_load %arg16[%swap3A_366, %swap3A_367] {strides = array<i32>} : memref<224x16xf32, #tpu.memory_space<vmem>>, vector<1x16xf32>,
      %swap3A_369 = vector.shape_cast %swap3A_368 : vector<1x16xf32> to vector<16xf32>
      %swap3A_370 = vector.shape_cast %scan3A_281#7 : vector<16xf32> to vector<1x16xf32>
      tpu.vector_store %arg16[%swap3A_366, %swap3A_367], %swap3A_370 {strides = array<i32>} : memref<224x16xf32, #tpu.memory_space<vmem>>, vector<1x16xf32>,
      %scan3A_371 = arith.constant 0 : i32
      scf.yield %scan3A_371 : i32
    }
    %scan3A_22 = arith.constant 14 : i32
    "tpu.region"() ({
      %run_scoped3A = tpu.sem_alloc : memref<!tpu.dma_semaphore, #tpu.memory_space<semaphore_mem>>
      %dma_start3A = arith.constant 0 : i32
      %dma_start3A_23 = tpu.memref_slice %arg8[%mul3A_2, %dma_start3A] : memref<7168x16xf32, #tpu.memory_space<hbm>> -> memref<224x16xf32, #tpu.memory_space<hbm>>
      %dma_start3A_24 = arith.constant 0 : i32
      %dma_start3A_25 = tpu.memref_slice %arg8[%mul3A_2, %dma_start3A_24] : memref<7168x16xf32, #tpu.memory_space<hbm>> -> memref<224x16xf32, #tpu.memory_space<hbm>>
      tpu.enqueue_dma source(%arg16 : memref<224x16xf32, #tpu.memory_space<vmem>>) target(%dma_start3A_25 : memref<224x16xf32, #tpu.memory_space<hbm>>) target_semaphore(%run_scoped3A : memref<!tpu.dma_semaphore, #tpu.memory_space<semaphore_mem>>)
      %dma_wait3A = arith.constant 0 : i32
      %dma_wait3A_26 = tpu.memref_slice %arg8[%mul3A_2, %dma_wait3A] : memref<7168x16xf32, #tpu.memory_space<hbm>> -> memref<224x16xf32, #tpu.memory_space<hbm>>
      %dma_wait3A_27 = arith.constant 0 : i32
      %dma_wait3A_28 = tpu.memref_slice %arg8[%mul3A_2, %dma_wait3A_27] : memref<7168x16xf32, #tpu.memory_space<hbm>> -> memref<224x16xf32, #tpu.memory_space<hbm>>
      tpu.wait_dma2 semaphore(%run_scoped3A : memref<!tpu.dma_semaphore, #tpu.memory_space<semaphore_mem>>) src(%arg16 : memref<224x16xf32, #tpu.memory_space<vmem>>) dst(%dma_wait3A_28 : memref<224x16xf32, #tpu.memory_space<hbm>>)
      tpu.yield
    }) : () -> ()
    return
  }
}

module attributes {stable_mosaic.version = 14 : i64} {
  func.func @_tc_body(%arg0: memref<3x16384xf32, #tpu.memory_space<vmem>>, %arg1: memref<6912x3xf32, #tpu.memory_space<vmem>>, %arg2: memref<6912x128xf32, #tpu.memory_space<vmem>>) attributes {dimension_semantics = [], scalar_prefetch = 0 : i64, scratch_operands = 0 : i64, tpu.core_type = #tpu.core_type<tc>} {
    %get3A = arith.constant 0 : index
    %get3A_0 = arith.constant 0 : index
    %get3A_1 = vector.load %arg1[%get3A, %get3A_0] : memref<6912x3xf32, #tpu.memory_space<vmem>>, vector<6912x3xf32>
    %mul3A = arith.constant 2.000000e+00 : f32
    %mul3A_2 = vector.broadcast %mul3A : f32 to vector<6912x3xf32>
    %mul3A_3 = arith.mulf %get3A_1, %mul3A_2 : vector<6912x3xf32>
    %broadcast_in_dim3A = arith.constant 0x7F800000 : f32
    %broadcast_in_dim3A_4 = vector.broadcast %broadcast_in_dim3A : f32 to vector<6912x128xf32>
    %scan3A = arith.constant 0 : i32
    %scan3A_5 = arith.constant 8 : i32
    %scan3A_6 = arith.addi %scan3A, %scan3A_5 : i32
    %scan3A_7 = arith.constant 1 : i32
    %scan3A_8 = scf.for %scan3A_12 = %scan3A to %scan3A_6 step %scan3A_7 iter_args(%scan3A_13 = %broadcast_in_dim3A_4) -> (vector<6912x128xf32>)  : i32 {
      %mul3A_14 = arith.constant 2048 : i32
      %mul3A_15 = arith.muli %scan3A_12, %mul3A_14 : i32
      %get3A_16 = arith.constant 0 : index
      %get3A_17 = arith.index_cast %mul3A_15 : i32 to index
      %get3A_18 = vector.load %arg0[%get3A_16, %get3A_17] : memref<3x16384xf32, #tpu.memory_space<vmem>>, vector<3x2048xf32>
      %slice3A = vector.extract_strided_slice %get3A_18 {offsets = [0, 0], sizes = [1, 2048], strides = [1, 1]} : vector<3x2048xf32> to vector<1x2048xf32>
      %slice3A_19 = vector.extract_strided_slice %get3A_18 {offsets = [1, 0], sizes = [1, 2048], strides = [1, 1]} : vector<3x2048xf32> to vector<1x2048xf32>
      %slice3A_20 = vector.extract_strided_slice %get3A_18 {offsets = [2, 0], sizes = [1, 2048], strides = [1, 1]} : vector<3x2048xf32> to vector<1x2048xf32>
      %mul3A_21 = arith.mulf %slice3A, %slice3A : vector<1x2048xf32>
      %mul3A_22 = arith.mulf %slice3A_19, %slice3A_19 : vector<1x2048xf32>
      %add3A = arith.addf %mul3A_21, %mul3A_22 : vector<1x2048xf32>
      %mul3A_23 = arith.mulf %slice3A_20, %slice3A_20 : vector<1x2048xf32>
      %add3A_24 = arith.addf %add3A, %mul3A_23 : vector<1x2048xf32>
      %dot_general3A = arith.constant dense<0.000000e+00> : vector<6912x2048xf32>
      %dot_general3A_25 = tpu.matmul %mul3A_3, %get3A_18, %dot_general3A {dimension_numbers = #tpu.dot_dimension_numbers<[1], [0], [0], [1], [0, 0, 1, 1], [], []>, transpose_lhs_hint = false} : vector<6912x3xf32>, vector<3x2048xf32>, vector<6912x2048xf32> -> vector<6912x2048xf32>
      %sub3A = vector.broadcast %add3A_24 : vector<1x2048xf32> to vector<6912x2048xf32>
      %sub3A_26 = arith.subf %sub3A, %dot_general3A_25 : vector<6912x2048xf32>
      %slice3A_27 = vector.extract_strided_slice %sub3A_26 {offsets = [0, 0], sizes = [6912, 128], strides = [1, 1]} : vector<6912x2048xf32> to vector<6912x128xf32>
      %slice3A_28 = vector.extract_strided_slice %sub3A_26 {offsets = [0, 128], sizes = [6912, 128], strides = [1, 1]} : vector<6912x2048xf32> to vector<6912x128xf32>
      %slice3A_29 = vector.extract_strided_slice %sub3A_26 {offsets = [0, 256], sizes = [6912, 128], strides = [1, 1]} : vector<6912x2048xf32> to vector<6912x128xf32>
      %slice3A_30 = vector.extract_strided_slice %sub3A_26 {offsets = [0, 384], sizes = [6912, 128], strides = [1, 1]} : vector<6912x2048xf32> to vector<6912x128xf32>
      %slice3A_31 = vector.extract_strided_slice %sub3A_26 {offsets = [0, 512], sizes = [6912, 128], strides = [1, 1]} : vector<6912x2048xf32> to vector<6912x128xf32>
      %slice3A_32 = vector.extract_strided_slice %sub3A_26 {offsets = [0, 640], sizes = [6912, 128], strides = [1, 1]} : vector<6912x2048xf32> to vector<6912x128xf32>
      %slice3A_33 = vector.extract_strided_slice %sub3A_26 {offsets = [0, 768], sizes = [6912, 128], strides = [1, 1]} : vector<6912x2048xf32> to vector<6912x128xf32>
      %slice3A_34 = vector.extract_strided_slice %sub3A_26 {offsets = [0, 896], sizes = [6912, 128], strides = [1, 1]} : vector<6912x2048xf32> to vector<6912x128xf32>
      %slice3A_35 = vector.extract_strided_slice %sub3A_26 {offsets = [0, 1024], sizes = [6912, 128], strides = [1, 1]} : vector<6912x2048xf32> to vector<6912x128xf32>
      %slice3A_36 = vector.extract_strided_slice %sub3A_26 {offsets = [0, 1152], sizes = [6912, 128], strides = [1, 1]} : vector<6912x2048xf32> to vector<6912x128xf32>
      %slice3A_37 = vector.extract_strided_slice %sub3A_26 {offsets = [0, 1280], sizes = [6912, 128], strides = [1, 1]} : vector<6912x2048xf32> to vector<6912x128xf32>
      %slice3A_38 = vector.extract_strided_slice %sub3A_26 {offsets = [0, 1408], sizes = [6912, 128], strides = [1, 1]} : vector<6912x2048xf32> to vector<6912x128xf32>
      %slice3A_39 = vector.extract_strided_slice %sub3A_26 {offsets = [0, 1536], sizes = [6912, 128], strides = [1, 1]} : vector<6912x2048xf32> to vector<6912x128xf32>
      %slice3A_40 = vector.extract_strided_slice %sub3A_26 {offsets = [0, 1664], sizes = [6912, 128], strides = [1, 1]} : vector<6912x2048xf32> to vector<6912x128xf32>
      %slice3A_41 = vector.extract_strided_slice %sub3A_26 {offsets = [0, 1792], sizes = [6912, 128], strides = [1, 1]} : vector<6912x2048xf32> to vector<6912x128xf32>
      %slice3A_42 = vector.extract_strided_slice %sub3A_26 {offsets = [0, 1920], sizes = [6912, 128], strides = [1, 1]} : vector<6912x2048xf32> to vector<6912x128xf32>
      %min3A = arith.minimumf %slice3A_27, %slice3A_28 : vector<6912x128xf32>
      %min3A_43 = arith.minimumf %slice3A_29, %slice3A_30 : vector<6912x128xf32>
      %min3A_44 = arith.minimumf %slice3A_31, %slice3A_32 : vector<6912x128xf32>
      %min3A_45 = arith.minimumf %slice3A_33, %slice3A_34 : vector<6912x128xf32>
      %min3A_46 = arith.minimumf %slice3A_35, %slice3A_36 : vector<6912x128xf32>
      %min3A_47 = arith.minimumf %slice3A_37, %slice3A_38 : vector<6912x128xf32>
      %min3A_48 = arith.minimumf %slice3A_39, %slice3A_40 : vector<6912x128xf32>
      %min3A_49 = arith.minimumf %slice3A_41, %slice3A_42 : vector<6912x128xf32>
      %min3A_50 = arith.minimumf %min3A, %min3A_43 : vector<6912x128xf32>
      %min3A_51 = arith.minimumf %min3A_44, %min3A_45 : vector<6912x128xf32>
      %min3A_52 = arith.minimumf %min3A_46, %min3A_47 : vector<6912x128xf32>
      %min3A_53 = arith.minimumf %min3A_48, %min3A_49 : vector<6912x128xf32>
      %min3A_54 = arith.minimumf %min3A_50, %min3A_51 : vector<6912x128xf32>
      %min3A_55 = arith.minimumf %min3A_52, %min3A_53 : vector<6912x128xf32>
      %min3A_56 = arith.minimumf %min3A_54, %min3A_55 : vector<6912x128xf32>
      %min3A_57 = arith.minimumf %scan3A_13, %min3A_56 : vector<6912x128xf32>
      scf.yield %min3A_57 : vector<6912x128xf32>
    }
    %scan3A_9 = arith.constant 8 : i32
    %swap3A = arith.constant 0 : index
    %swap3A_10 = arith.constant 0 : index
    %swap3A_11 = vector.load %arg2[%swap3A, %swap3A_10] : memref<6912x128xf32, #tpu.memory_space<vmem>>, vector<6912x128xf32>
    tpu.vector_store %arg2[%swap3A, %swap3A_10], %scan3A_8 {strides = array<i32>} : memref<6912x128xf32, #tpu.memory_space<vmem>>, vector<6912x128xf32>,
    return
  }
}

module attributes {stable_mosaic.version = 14 : i64} {
  func.func @_combine_body(%arg0: memref<6912x128xf32, #tpu.memory_space<vmem>>, %arg1: memref<7168x16xf32, #tpu.memory_space<vmem>>, %arg2: memref<6912x3xf32, #tpu.memory_space<vmem>>, %arg3: memref<1x1xf32, #tpu.memory_space<vmem>>) attributes {dimension_semantics = [], scalar_prefetch = 0 : i64, scratch_operands = 0 : i64, tpu.core_type = #tpu.core_type<tc>} {
    %get3A = arith.constant 0 : index
    %get3A_0 = arith.constant 0 : index
    %get3A_1 = vector.load %arg2[%get3A, %get3A_0] : memref<6912x3xf32, #tpu.memory_space<vmem>>, vector<6912x3xf32>
    %get3A_2 = arith.constant 0 : index
    %get3A_3 = arith.constant 0 : index
    %get3A_4 = vector.load %arg2[%get3A_2, %get3A_3] : memref<6912x3xf32, #tpu.memory_space<vmem>>, vector<6912x3xf32>
    %mul3A = arith.mulf %get3A_1, %get3A_4 : vector<6912x3xf32>
    %reduce_sum3A = arith.constant dense<0.000000e+00> : vector<6912xf32>
    %reduce_sum3A_5 = vector.multi_reduction <add>, %mul3A, %reduce_sum3A [1] : vector<6912x3xf32> to vector<6912xf32>
    %broadcast_in_dim3A = vector.shape_cast %reduce_sum3A_5 : vector<6912xf32> to vector<6912x1xf32>
    %get3A_6 = arith.constant 0 : index
    %get3A_7 = arith.constant 0 : index
    %get3A_8 = vector.load %arg0[%get3A_6, %get3A_7] : memref<6912x128xf32, #tpu.memory_space<vmem>>, vector<6912x128xf32>
    %reduce_min3A = arith.constant dense<0x7F800000> : vector<6912xf32>
    %reduce_min3A_9 = vector.multi_reduction <minimumf>, %get3A_8, %reduce_min3A [1] : vector<6912x128xf32> to vector<6912xf32>
    %broadcast_in_dim3A_10 = vector.shape_cast %reduce_min3A_9 : vector<6912xf32> to vector<6912x1xf32>
    %get3A_11 = arith.constant 0 : index
    %get3A_12 = arith.constant 0 : index
    %get3A_13 = vector.load %arg1[%get3A_11, %get3A_12] : memref<7168x16xf32, #tpu.memory_space<vmem>>, vector<6912x16xf32>
    %reduce_min3A_14 = arith.constant dense<0x7F800000> : vector<6912xf32>
    %reduce_min3A_15 = vector.multi_reduction <minimumf>, %get3A_13, %reduce_min3A_14 [1] : vector<6912x16xf32> to vector<6912xf32>
    %broadcast_in_dim3A_16 = vector.shape_cast %reduce_min3A_15 : vector<6912xf32> to vector<6912x1xf32>
    %min3A = arith.minimumf %broadcast_in_dim3A_10, %broadcast_in_dim3A_16 : vector<6912x1xf32>
    %add3A = arith.addf %min3A, %broadcast_in_dim3A : vector<6912x1xf32>
    %max3A = arith.constant 0.000000e+00 : f32
    %max3A_17 = vector.broadcast %max3A : f32 to vector<6912x1xf32>
    %max3A_18 = arith.maximumf %add3A, %max3A_17 : vector<6912x1xf32>
    %iota3A = tpu.iota {dimensions = array<i32: 0>} : vector<6912x1xi32>
    %lt3A = arith.constant 6890 : i32
    %lt3A_19 = vector.broadcast %lt3A : i32 to vector<6912x1xi32>
    %lt3A_20 = arith.cmpi slt, %iota3A, %lt3A_19 : vector<6912x1xi32>
    %jit3A = arith.constant 0.000000e+00 : f32
    %broadcast_in_dim3A_21 = vector.broadcast %jit3A : f32 to vector<6912x1xf32>
    %select_n3A = arith.select %lt3A_20, %max3A_18, %broadcast_in_dim3A_21 : vector<6912x1xi1>, vector<6912x1xf32>
    %reduce_sum3A_22 = vector.shape_cast %select_n3A : vector<6912x1xf32> to vector<1x6912x1xf32>
    %reduce_sum3A_23 = arith.constant dense<0.000000e+00> : vector<1xf32>
    %reduce_sum3A_24 = vector.multi_reduction <add>, %reduce_sum3A_22, %reduce_sum3A_23 [1, 2] : vector<1x6912x1xf32> to vector<1xf32>
    %reduce_sum3A_25 = vector.shape_cast %reduce_sum3A_24 : vector<1xf32> to vector<1x1x1xf32>
    %reduce_sum3A_26 = vector.extract %reduce_sum3A_25[0, 0, 0] : f32 from vector<1x1x1xf32>
    %broadcast_in_dim3A_27 = vector.broadcast %reduce_sum3A_26 : f32 to vector<1x1xf32>
    %swap3A = arith.constant 0 : index
    %swap3A_28 = arith.constant 0 : index
    %swap3A_29 = vector.load %arg3[%swap3A, %swap3A_28] : memref<1x1xf32, #tpu.memory_space<vmem>>, vector<1x1xf32>
    tpu.vector_store %arg3[%swap3A, %swap3A_28], %broadcast_in_dim3A_27 {strides = array<i32>} : memref<1x1xf32, #tpu.memory_space<vmem>>, vector<1x1xf32>,
    return
  }
}

</mosaic_0001>

<sc_bundles>
// kernel: kernel.5.cloned.1.call-start
scs
__scs_entry_jumppad:
0x0: {  	(pc) =	sbr.rel $0x88, $3  }
0x1: {  	(tag) =	ssettag $0x0;
	lr =	simm.s32 $0x1  }
0x2: {  	[smem:$0x3F9F] =	sst lr;
	_ =	strace $0xD0000000  }
0x3: {  	_ = 	snop  }
0x4: {  	_ = 	snop  }
0x5: {  	_ = 	snop  }
0x6: {  	_ = 	snop  }
0x7: {  	_ = 	snop  }
__scs_overlays_trampoline_lowered:
0x8: {  	[smem:$0x3FAE] =	sst s0  }
0x9: {  	[smem:$0x3FAF] =	sst s1  }
0xa: {  	[smem:$0x3FB0] =	sst s2  }
0xb: {  	[smem:$0x3FB1] =	sst s3  }
0xc: {  	[smem:$0x3FB2] =	sst s4  }
0xd: {  	[smem:$0x3FB3] =	sst s5  }
0xe: {  	[smem:$0x3FB4] =	sst s6  }
0xf: {  	[smem:$0x3FB5] =	sst s7  }
0x10: {  	[smem:$0x3FB6] =	sst s8  }
0x11: {  	[smem:$0x3FB7] =	sst s9;
	s0 =	simm.s32 @!p0 $0x0  }
0x12: {  	s1 =	sld [smem:$0x3F9D];
	s0 =	simm.s32 @p0 $0x1  }
0x13: {  	[smem:$0x3FB8] =	sst s0;
	s0 =	simm.s32 @!p1 $0x0  }
0x14: {  	s2 =	sld [smem:$0x3F9C];
	s0 =	simm.s32 @p1 $0x1  }
0x15: {  	[smem:$0x3FB9] =	sst s0;
	s0 =	simm.s32 @!p2 $0x0  }
0x16: {  	s3 =	sld [smem:$0x3FDB];
	s0 =	simm.s32 @p2 $0x1  }
0x17: {  	s4 =	simm.s32 $0x1BF5;
	[smem:$0x3FBB] =	sst s0  }
0x18: {  	s0 =	sld [smem:$0x3F9E];
	_ =	swait.ge [sflag:s4], $0x0  }
0x19: {  	s7 =	sld [smem:$0x3F9F]  }
0x1a: {  	s8 =	sadd.s32 $0xFFFFE003, lr  }
0x1b: {  	s9 =	sadd.s32 $0xFFFFFEF7, lr;
	s5 =	simm.s32 $0xFFFFFFFF;
	p2 =	slt.u32 s8, $0xFFFFF086  }
0x1c: {  	p1 =	slt.u32 s9, $0xF7A;
	s5 =	simm.s32 @!p2 $0x0  }
0x1d: {  	s5 =	simm.s32 @p1 $0x1;
	p0 =	seq.s32 s7, s2  }
0x1e: {  	s7 =	smul.u32 @!p0 $0xF7A, s2;
	p2 =	seq.s32 @!p0 s5, $0x0  }
0x1f: {  	s9 =	smul.u32 $0xF7A, s1;
	s8 =	simm.s32 @!p0 $0x1BF5;
	p2 =	por !p2, p0  }
0x20: {  	[sflag:s8] =	ssyncset.s32 @!p0 $0xFFFFF086;
	s6 =	sadd.s32 @!p0 s3, s7;
	s7 =	simm.s32 @!p0 $0x108  }
0x21: {  	s3 =	sadd.s32 s3, s9;
	s6 =	sadd.s32 @!p0 $0x88, s6;
	s7 =	simm.s32 @p2 $0x1082  }
0x22: {  	[simem:s7], [sflag:s8] =	dma.local @!p0 [hbm:s6], $0xF7A  }
0x23: {  	s9 =	sor.u32 $0xD0000000, s2;
	s6 =	simm.s32 $0x108;
	_ =	swait.ge @!p0 [sflag:s8], $0x0  }
0x24: {  	s3 =	sadd.s32 $0x88, s3;
	s6 =	simm.s32 @!p1 $0x1082;
	[sflag:s4] =	ssyncset.s32 $0xFFFFF086  }
0x25: {  	[simem:s6], [sflag:s4] =	dma.local [hbm:s3], $0xF7A  }
0x26: {  	[smem:$0x3F9F] =	sst s1;
	(tag) =	ssettag s2;
	_ =	strace s9  }
0x27: {  	s1 =	sld [smem:$0x3FAF]  }
0x28: {  	s2 =	sld [smem:$0x3FB0]  }
0x29: {  	s4 =	sld [smem:$0x3FB2]  }
0x2a: {  	p0 =	seq.s32 s5, $0x0;
	s5 =	sld [smem:$0x3FB3]  }
0x2b: {  	s6 =	sld [smem:$0x3FB4]  }
0x2c: {  	s7 =	sld [smem:$0x3FB5]  }
0x2d: {  	s3 =	simm.s32 $0x108;
	s8 =	sld [smem:$0x3FB6]  }
0x2e: {  	s3 =	simm.s32 @!p0 $0x1082;
	s9 =	sld [smem:$0x3FB7]  }
0x2f: {  	lr =	sadd.s32 s0, s3;
	s0 =	sld [smem:$0x3FAE]  }
0x30: {  	s3 =	sld [smem:$0x3FB1]  }
0x31: {  	[smem:$0x3FBA] =	sst s10  }
0x32: {  	s10 =	sld [smem:$0x3FB8];
	_ =	sdelay $0x3  }
0x33: {  	p0 =	seq.s32 s10, $0x1;
	s10 =	sld [smem:$0x3FBA];
	_ =	sdelay $0x3  }
0x34: {  	[smem:$0x3FBA] =	sst s10  }
0x35: {  	s10 =	sld [smem:$0x3FB9];
	_ =	sdelay $0x3  }
0x36: {  	p1 =	seq.s32 s10, $0x1;
	s10 =	sld [smem:$0x3FBA];
	_ =	sdelay $0x3  }
0x37: {  	[smem:$0x3FBA] =	sst s10  }
0x38: {  	s10 =	sld [smem:$0x3FBB]  }
0x39: {  	_ = 	snop;
	(pc) =	sbr.ind lr, $3  }
0x3a: {  	_ = 	snop  }
0x3b: {  	_ = 	snop  }
0x3c: {  	p2 =	seq.s32 s10, $0x1;
	s10 =	sld [smem:$0x3FBA]  }
0x3d: {  	_ =	shalt  }
0x3e: {  	_ =	shalt  }
0x3f: {  	_ =	shalt  }
0x40: {  	_ =	shalt  }
0x41: {  	_ =	shalt  }
0x42: {  	_ =	shalt  }
0x43: {  	_ =	shalt  }
0x44: {  	_ =	shalt  }
0x45: {  	_ =	shalt  }
0x46: {  	_ =	shalt  }
0x47: {  	_ =	shalt  }
0x48: {  	_ =	shalt  }
0x49: {  	_ =	shalt  }
0x4a: {  	_ =	shalt  }
0x4b: {  	_ =	shalt  }
0x4c: {  	_ =	shalt  }
0x4d: {  	_ =	shalt  }
0x4e: {  	_ =	shalt  }
0x4f: {  	_ =	shalt  }
0x50: {  	_ =	shalt  }
0x51: {  	_ =	shalt  }
0x52: {  	_ =	shalt  }
0x53: {  	_ =	shalt  }
0x54: {  	_ =	shalt  }
0x55: {  	_ =	shalt  }
0x56: {  	_ =	shalt  }
0x57: {  	_ =	shalt  }
0x58: {  	_ =	shalt  }
0x59: {  	_ =	shalt  }
0x5a: {  	_ =	shalt  }
0x5b: {  	_ =	shalt  }
0x5c: {  	_ =	shalt  }
0x5d: {  	_ =	shalt  }
0x5e: {  	_ =	shalt  }
0x5f: {  	_ =	shalt  }
0x60: {  	_ =	shalt  }
0x61: {  	_ =	shalt  }
0x62: {  	_ =	shalt  }
0x63: {  	_ =	shalt  }
0x64: {  	_ =	shalt  }
0x65: {  	_ =	shalt  }
0x66: {  	_ =	shalt  }
0x67: {  	_ =	shalt  }
0x68: {  	_ =	shalt  }
0x69: {  	_ =	shalt  }
0x6a: {  	_ =	shalt  }
0x6b: {  	_ =	shalt  }
0x6c: {  	_ =	shalt  }
0x6d: {  	_ =	shalt  }
0x6e: {  	_ =	shalt  }
0x6f: {  	_ =	shalt  }
0x70: {  	_ =	shalt  }
0x71: {  	_ =	shalt  }
0x72: {  	_ =	shalt  }
0x73: {  	_ =	shalt  }
0x74: {  	_ =	shalt  }
0x75: {  	_ =	shalt  }
0x76: {  	_ =	shalt  }
0x77: {  	_ =	shalt  }
0x78: {  	_ =	shalt  }
0x79: {  	_ =	shalt  }
0x7a: {  	_ =	shalt  }
0x7b: {  	_ =	shalt  }
0x7c: {  	_ =	shalt  }
0x7d: {  	_ =	shalt  }
0x7e: {  	_ =	shalt  }
0x7f: {  	_ =	shalt  }
0x80: {  	_ =	shalt  }
0x81: {  	_ =	shalt  }
0x82: {  	_ =	shalt  }
0x83: {  	_ =	shalt  }
0x84: {  	_ =	shalt  }
0x85: {  	_ =	shalt  }
0x86: {  	_ =	shalt  }
0x87: {  	_ =	shalt  }
.Lfunc_end0:
.L_simem_size_0:
called_computation_lowered:
.L_overlay_start_0:
0x88: {  	s2 =	sld [smem:$0x3FD9]  }
0x89: {  	s3 =	sld [smem:$0x3FFE];
	_ =	sdelay $0x1  }
0x8a: {  	s1 =	srdreg.scid  }
0x8b: {  	s0 =	sand.u32 $0x1, s1  }
0x8c: {  	s16 =	sshll.u32 s0, $0xA;
	s2 =	sadd.s32 s3, s2  }
0x8d: {  	s2 =	sadd.s32 s2, s16  }
0x8e: {  	[smem:$0x3FC6] =	sst s2  }
0x8f: {  	_ = 	snop  }
0x90: {  	(tm) =	ssettm $0x1  }
0x91: {  	s17 =	sld [smem:$0x3FFB];
	_ =	sdelay $0x3  }
0x92: {  	_ =	strace s17  }
0x93: {  	s2 =	sld [smem:$0x3FFC];
	_ =	sdelay $0x3  }
0x94: {  	_ =	strace s2  }
0x95: {  	s2 =	sld [smem:$0x3FFD];
	_ =	sdelay $0x3  }
0x96: {  	_ =	strace s2  }
0x97: {  	_ =	strace $0x8FFFFFFF  }
0x98: {  	s18 =	sld [smem:$0x3FDB];
	_ =	sdelay $0x1  }
0x99: {  	s19 =	simm.s32 $_scs_section_size  }
0x9a: {  	s4 =	simm.s32 $_size__tile_overlayer_lowered;
	s5 =	simm.s32 $_tile_overlayer_lowered  }
0x9b: {  	s22 =	simm.s32 $0x1BFF;
	s21 =	sshll.u32 s5, $0x1;
	s2 =	sadd.s32 s19, s18  }
0x9c: {  	s6 =	simm.s32 $0x0;
	s20 =	sshll.u32 s4, $0x1;
	s4 =	sadd.s32 s21, s2  }
0x9d: {  	[timem:s6], [sflag:s22] =	dma.local [hbm:s4], s20  }
0x9e: {  	_ =	swait.ge [sflag:s22], s20  }
0x9f: {  	s3 =	ssub.s32 $0x0, s20;
	[sflag:s22] =	ssyncset.done $0x0  }
0xa0: {  	[sflag:s22] =	ssyncadd.s32 s3;
	_ =	sdelay $0x1  }
0xa1: {  	s23 =	simm.s32 $0x1B8B  }
0xa2: {  	_ =	swait.ge [sflag:s23], $0x1  }
0xa3: {  	[sflag:s23] =	ssyncset.done $0x0  }
0xa4: {  	s25 =	simm.s32 $0x1B8E;
	s24 =	sld [smem:$0x3FFE];
	[sflag:s23] =	ssyncadd.s32 $0xFFFFFFFF  }
0xa5: {  	s26 =	simm.s32 $execute0_lowered;
	[smem:$0x3FD2] =	sst s25  }
0xa6: {  	s4 =	sshll.u32 s26, $0x1;
	_ =	strace $0x80000046;
	[dreg:$0x1] =	wrdreg $0xFFFFFFFF  }
0xa7: {  	s28 =	simm.s32 $_size_execute0_lowered;
	s2 =	sadd.s32 s2, s4;
	[dreg:$0x0] =	wrdreg $0x0  }
0xa8: {  	s4 =	sshll.u32 s28, $0x1;
	[dreg:$0x2] =	wrdreg s2  }
0xa9: {  	[dreg:$0x3] =	wrdreg s4  }
0xaa: {  	[dreg:$0x4] =	wrdreg $0xC0  }
0xab: {  	_ =	task [dreg:s6], $0x5FFFF  }
0xac: {  	[dreg:$0x1] =	wrdreg $0xFFFFFFFF  }
0xad: {  	[dreg:$0x0] =	wrdreg $0x60  }
0xae: {  	[dreg:$0x2] =	wrdreg s24  }
0xaf: {  	[dreg:$0x3] =	wrdreg $0x9  }
0xb0: {  	_ =	task.clear_ibuf [dreg:s6], $0x4FFFF;
	_ =	strace $0x90000046  }
0xb1: {  	s29 =	simm.s32 $0x9;
	_ =	strace $0x80000048  }
0xb2: {  	_ =	swait.ge [sflag:s29], $0x1  }
0xb3: {  	[sflag:s29] =	ssyncadd.s32 $0xFFFFFFFF  }
0xb4: {  	_ =	strace $0x90000048  }
0xb5: {  	_ =	sfence  }
0xb6: {  	s30 =	sld [smem:$0x0];
	_ =	sdelay $0x2  }
0xb7: {  	s31 =	sshll.u32 s1, $0xD;
	s1 =	sshrl.u32 s1, $0x2  }
0xb8: {  	s3 =	sand.u32 $0x4000, s31;
	s1 =	sadd.s32 s1, s30  }
0xb9: {  	s0 =	sor.u32 s3, s0;
	s1 =	sshll.u32 s1, $0x11  }
0xba: {  	s0 =	sor.u32 s1, s0  }
0xbb: {  	s0 =	sadd.s32 $0x8F2B, s0  }
0xbc: {  	[sflag:s0] =	ssyncadd.remote.s32 $0x1  }
0xbd: {  	_ =	sfence.sel $0xFFFF  }
0xbe: {  	[dreg:$0x0] =	wrdreg $0xFFFFFFFF;
	(pc) =	sbr.abs _section_cstart, $3  }
0xbf: {  	[dreg:$0x1] =	wrdreg $0xFFFFFFFF  }
0xc0: {  	_ =	task.clear_ibuf [dreg:s6], $0x2FFFF;
	_ =	strace $0x9FFFFFFF  }
0xc1: {  	(tm) =	ssettm $0x7FFFFFFF  }
tec
execute0_lowered:
.L_overlay_start_1:
0x0: {  	(tag) =	ssettag $0x1  }
0x1: {  	s2 =	rddreg [dreg:$0x0]  }
0x2: {  	s0 =	rddreg [dreg:$0x1]  }
0x3: {  	s4 =	srdreg.scid;
	s1 =	stileid.u32;
	s3 =	simm.s32 $0x0  }
0x4: {  	s12 =	simm.s32 $0xE80;
	s13 =	simm.s32 $0x1D00;
	s14 =	simm.s32 $0x3A00  }
0x5: {  	s15 =	simm.s32 $0x3B00;
	s5 =	sand.u32 $0x1, s4;
	s30 =	sshll.u32 s1, $0x1  }
0x6: {  	s16 =	simm.s32 $0x3C00;
	s17 =	simm.s32 $0x3D00;
	s6 =	sor.u32 s5, s30  }
0x7: {  	s18 =	simm.s32 $0x0;
	[smem:$0x7FF] =	sst s3;
	s7 =	smul.u32 $0x1C, s6  }
0x8: {  	s4 =	sadd.s32 $0x400, s2;
	s8 =	ssub.s32 $0x2, s5;
	s6 =	smul.u32 $0xE00, s6  }
0x9: {  	_ =	strace $0x80000047;
	s5 =	sadd.s32 $0x200, s2;
	s31 =	sshrl.u32 s8, $0x1  }
0xa: {  	s11 =	ssub.s32 s8, s31;
	s9 =	sadd.s32 s7, s2;
	s10 =	sadd.s32 s6, s2  }
0xb: {  	s6 =	sadd.s32 $0xE00, s9;
	s7 =	sadd.s32 $0xA00, s9;
	s8 =	sadd.s32 $0x600, s9  }
0xc: {  	s9 =	sadd.s32 $0x1200, s10;
	s10 =	smax.u32 s11, $0x1;
	s11 =	simm.s32 $0x1  }
.LBB2_1:
0xd: {  	[tilespmem:s3], [sflag:$0x1] =	stream.linear.gather [hbm4b:s4+s3], $0xE80, $0x38;
	[tilespmem:$0xAD00] =	vst v63  }
0xe: {  	_ =	swait.ge [sflag:s11], $0xE80  }
0xf: {  	[sflag:s11] =	ssyncset.done $0x0  }
0x10: {  	[sflag:s11] =	ssyncadd.s32 $0xFFFFF180  }
0x11: {  	[tilespmem:s12], [sflag:$0x1] =	stream.linear.gather [hbm4b:s5+s3], $0xE80, $0x38;
	[tilespmem:$0xAD00] =	vst v63  }
0x12: {  	_ =	swait.ge [sflag:s11], $0xE80  }
0x13: {  	[sflag:s11] =	ssyncset.done $0x0  }
0x14: {  	[sflag:s11] =	ssyncadd.s32 $0xFFFFF180  }
0x15: {  	[tilespmem:s13], [sflag:$0x1] =	stream.linear.gather [hbm4b:s2+s3], $0xE80, $0x38;
	[tilespmem:$0xAD00] =	vst v63  }
0x16: {  	_ =	swait.ge [sflag:s11], $0xE80  }
0x17: {  	[sflag:s11] =	ssyncset.done $0x0  }
0x18: {  	[sflag:s11] =	ssyncadd.s32 $0xFFFFF180  }
0x19: {  	[tilespmem:s14], [sflag:$0x1] =	stream.linear.gather [hbm4b:s6+s3], $0xE0, $0x38;
	[tilespmem:$0xAD00] =	vst v63  }
0x1a: {  	_ =	swait.ge [sflag:s11], $0xE0  }
0x1b: {  	[sflag:s11] =	ssyncset.done $0x0  }
0x1c: {  	[sflag:s11] =	ssyncadd.s32 $0xFFFFFF20  }
0x1d: {  	[tilespmem:s15], [sflag:$0x1] =	stream.linear.gather [hbm4b:s7+s3], $0xE0, $0x38;
	[tilespmem:$0xAD00] =	vst v63  }
0x1e: {  	_ =	swait.ge [sflag:s11], $0xE0  }
0x1f: {  	[sflag:s11] =	ssyncset.done $0x0  }
0x20: {  	[sflag:s11] =	ssyncadd.s32 $0xFFFFFF20  }
0x21: {  	[tilespmem:s16], [sflag:$0x1] =	stream.linear.gather [hbm4b:s8+s3], $0xE0, $0x38;
	[tilespmem:$0xAD00] =	vst v63  }
0x22: {  	_ =	swait.ge [sflag:s11], $0xE0  }
0x23: {  	[sflag:s11] =	ssyncset.done $0x0  }
0x24: {  	s19 =	simm.s32 $0x0;
	[sflag:s11] =	ssyncadd.s32 $0xFFFFFF20  }
0x25: {  	v0 =	vld [tilespmem:s19+$0x0];
	_ =	sdelay $0x1  }
0x26: {  	v1 =	vld [tilespmem:s19+$0xE80]  }
0x27: {  	v2 =	vld [tilespmem:s19+$0x1D00];
	_ =	sdelay $0x1  }
0x28: {  	v3 =	vmul.f32 $6.553700000e+04, v0;
	_ =	sdelay $0x1  }
0x29: {  	v4 =	vmul.f32 $6.553700000e+04, v1;
	v5 =	vsub.f32 v3, v0  }
0x2a: {  	v6 =	vmul.f32 $6.553700000e+04, v2;
	v62 =	vmul.f32 v0, v0  }
0x2b: {  	v7 =	vsub.f32 v4, v1;
	v1 =	vmul.f32 v1, v1;
	v3 =	vsub.f32 v3, v5  }
0x2c: {  	v8 =	vsub.f32 v6, v2  }
0x2d: {  	v2 =	vmul.f32 v2, v2;
	v4 =	vsub.f32 v4, v7;
	[tilespmem:s19+$0x0] =	vst v3;
	v3 =	vadd.f32 v1, v62  }
0x2e: {  	s20 =	simm.s32 $0x10;
	v63 =	vsub.f32 v6, v8  }
0x2f: {  	v0 =	vld [tilespmem:s20+$0x0];
	[tilespmem:s19+$0xE80] =	vst v4;
	v2 =	vadd.f32 v2, v3  }
0x30: {  	s21 =	simm.s32 $0x80;
	v1 =	vld [tilespmem:s20+$0xE80];
	[tilespmem:s19+$0x1D00] =	vst v63  }
.LBB2_2:
0x31: {  	p0 =	sne.s32 s21, $0x3840;
	v3 =	vld [tilespmem:s20+$0x1D00];
	[tilespmem:s19+$0x2B80] =	vst v2;
	s19 =	smov.u32 s20;
	_ =	sdelay $0x2  }
0x32: {  	v2 =	vmul.f32 v0, v0;
	v4 =	vmul.f32 $6.553700000e+04, v0  }
0x33: {  	v5 =	vmul.f32 v1, v1;
	v6 =	vmul.f32 $6.553700000e+04, v1  }
0x34: {  	v7 =	vmul.f32 v3, v3;
	v0 =	vsub.f32 v4, v0;
	v8 =	vmul.f32 $6.553700000e+04, v3  }
0x35: {  	v2 =	vadd.f32 v5, v2;
	v1 =	vsub.f32 v6, v1  }
.Ltmp0:
0x36: {  	v0 =	vsub.f32 v4, v0;
	v3 =	vsub.f32 v8, v3;
	(pc) =	sbr.rel @p0 .LBB2_2-.Ltmp0, $4  }
0x37: {  	v2 =	vadd.f32 v7, v2;
	v1 =	vsub.f32 v6, v1  }
0x38: {  	s20 =	sshra.s32 s21, $0x2;
	[tilespmem:s19+$0x0] =	vst v0;
	v3 =	vsub.f32 v8, v3  }
0x39: {  	v0 =	vld [tilespmem:s20+$0x0];
	[tilespmem:s19+$0xE80] =	vst v1  }
0x3a: {  	s21 =	sadd.s32 $0x40, s21;
	v1 =	vld [tilespmem:s20+$0xE80];
	[tilespmem:s19+$0x1D00] =	vst v3  }
0x3b: {  	v3 =	vld [tilespmem:s20+$0x1D00];
	_ =	sdelay $0x2  }
0x3c: {  	v4 =	vmul.f32 $6.553700000e+04, v0  }
0x3d: {  	v5 =	vmul.f32 $6.553700000e+04, v1  }
0x3e: {  	v6 =	vsub.f32 v4, v0;
	v7 =	vmul.f32 $6.553700000e+04, v3  }
0x3f: {  	v8 =	vmul.f32 v1, v1;
	v0 =	vmul.f32 v0, v0;
	v1 =	vsub.f32 v5, v1  }
0x40: {  	v4 =	vsub.f32 v4, v6;
	v63 =	vsub.f32 v7, v3  }
0x41: {  	[tilespmem:s19+$0x2B80] =	vst v2;
	v2 =	vmul.f32 v3, v3;
	v0 =	vadd.f32 v8, v0;
	v1 =	vsub.f32 v5, v1  }
0x42: {  	p0 =	por $0x1, $0x1;
	[tilespmem:s20+$0x0] =	vst v4;
	v3 =	vsub.f32 v7, v63  }
.Ltmp1:
0x43: {  	v0 =	vadd.f32 v2, v0;
	[tilespmem:s20+$0xE80] =	vst v1;
	(pc) =	sbr.rel @!p0 .LBB2_5-.Ltmp1, $4  }
0x44: {  	[tilespmem:s20+$0x1D00] =	vst v3  }
0x45: {  	[tilespmem:s20+$0x2B80] =	vst v0;
	s20 =	simm.s32 $0x0  }
0x46: {  	v0 =	vld [tilespmem:s20+$0x3A00]  }
0x47: {  	s19 =	simm.s32 $0x0;
	s21 =	simm.s32 $0x40;
	v1 =	vld [tilespmem:s20+$0x3B00]  }
.LBB2_4:
0x48: {  	p0 =	sne.s32 s21, $0x340;
	v2 =	vld [tilespmem:s20+$0x3C00];
	_ =	sdelay $0x2  }
0x49: {  	v3 =	vmul.f32 $6.553700000e+04, v0  }
0x4a: {  	v4 =	vmul.f32 $6.553700000e+04, v1  }
0x4b: {  	v0 =	vsub.f32 v3, v0;
	v5 =	vmul.f32 $6.553700000e+04, v2  }
0x4c: {  	v1 =	vsub.f32 v4, v1  }
0x4d: {  	v0 =	vsub.f32 v3, v0;
	v2 =	vsub.f32 v5, v2  }
0x4e: {  	v1 =	vsub.f32 v4, v1  }
.Ltmp2:
0x4f: {  	v0 =	vadd.f32 v0, v0;
	v2 =	vsub.f32 v5, v2;
	(pc) =	sbr.rel @p0 .LBB2_4-.Ltmp2, $4  }
0x50: {  	v1 =	vadd.f32 v1, v1  }
0x51: {  	s22 =	sshra.s32 s21, $0x2;
	[tilespmem:s20+$0x3A00] =	vst v0;
	v2 =	vadd.f32 v2, v2  }
0x52: {  	v0 =	vld [tilespmem:s22+$0x3A00];
	[tilespmem:s20+$0x3B00] =	vst v1  }
0x53: {  	s21 =	sadd.s32 $0x40, s21;
	v1 =	vld [tilespmem:s22+$0x3B00];
	[tilespmem:s20+$0x3C00] =	vst v2;
	s20 =	smov.u32 s22  }
.LBB2_5:
0x54: {  	v2 =	vld [tilespmem:s20+$0x3C00];
	_ =	sdelay $0x2  }
0x55: {  	v3 =	vmul.f32 $6.553700000e+04, v0  }
0x56: {  	v4 =	vmul.f32 $6.553700000e+04, v1  }
0x57: {  	v0 =	vsub.f32 v3, v0;
	v5 =	vmul.f32 $6.553700000e+04, v2  }
0x58: {  	v1 =	vsub.f32 v4, v1  }
0x59: {  	v0 =	vsub.f32 v3, v0;
	v2 =	vsub.f32 v5, v2  }
0x5a: {  	v1 =	vsub.f32 v4, v1  }
0x5b: {  	v0 =	vadd.f32 v0, v0;
	v2 =	vsub.f32 v5, v2  }
0x5c: {  	v1 =	vadd.f32 v1, v1  }
0x5d: {  	[tilespmem:s20+$0x3A00] =	vst v0;
	v63 =	vadd.f32 v2, v2  }
0x5e: {  	[tilespmem:s20+$0x3B00] =	vst v1  }
0x5f: {  	[tilespmem:s20+$0x3C00] =	vst v63  }
.LBB2_6:
0x60: {  	s20 =	sshll.u32 s19, $0x4  }
0x61: {  	v2 =	vld [tilespmem:s20+$0x3A00]  }
0x62: {  	v0 =	vld [tilespmem:s20+$0x3B00]  }
0x63: {  	v1 =	vld [tilespmem:s20+$0x3C00];
	_ =	sdelay $0x3  }
0x64: {  	v22 =	vbroadcast v2, $0x0  }
0x65: {  	v12 =	vbroadcast v0, $0x0;
	v3 =	vbroadcast v1, $0x0  }
0x66: {  	v23 =	vbroadcast v2, $0x1;
	v18 =	vbroadcast v0, $0x1  }
0x67: {  	v4 =	vbroadcast v1, $0x1;
	v19 =	vbroadcast v2, $0x2  }
0x68: {  	v10 =	vbroadcast v0, $0x2;
	v5 =	vbroadcast v1, $0x2  }
0x69: {  	v13 =	vbroadcast v2, $0x3;
	v14 =	vbroadcast v0, $0x3  }
0x6a: {  	s30 =	simm.s32 $0x0;
	v6 =	vbroadcast v1, $0x3;
	v15 =	vbroadcast v2, $0x4  }
0x6b: {  	v27 =	vld [tilespmem:s30+$0x0];
	v11 =	vbroadcast v0, $0x4;
	v7 =	vbroadcast v1, $0x4  }
0x6c: {  	v16 =	vbroadcast v2, $0x5;
	v20 =	vbroadcast v0, $0x5  }
0x6d: {  	v28 =	vld [tilespmem:s30+$0xE80];
	v8 =	vbroadcast v1, $0x5;
	v21 =	vbroadcast v2, $0x6  }
0x6e: {  	v17 =	vbroadcast v0, $0x6;
	v9 =	vbroadcast v1, $0x6  }
0x6f: {  	v29 =	vld [tilespmem:s30+$0x1D00];
	v25 =	vbroadcast v2, $0x7;
	v26 =	vbroadcast v0, $0x7  }
0x70: {  	v24 =	vbroadcast v1, $0x7;
	v30 =	vmul.f32 v27, v22  }
0x71: {  	v31 =	vmul.f32 v27, v23;
	v32 =	vmul.f32 v27, v25  }
0x72: {  	v33 =	vmul.f32 v28, v26;
	v35 =	vmul.f32 v28, v12  }
0x73: {  	v36 =	vmul.f32 v28, v18;
	v37 =	vmul.f32 v27, v19  }
0x74: {  	v49 =	vmul.f32 v29, v24;
	v50 =	vmul.f32 v28, v10  }
0x75: {  	s31 =	simm.s32 $0x10;
	v38 =	vmul.f32 v27, v13;
	v39 =	vmul.f32 v28, v14  }
0x76: {  	v59 =	vld [tilespmem:s31+$0x0];
	v40 =	vmul.f32 v27, v15;
	v51 =	vmul.f32 v28, v11  }
0x77: {  	v60 =	vld [tilespmem:s31+$0xE80];
	v52 =	vmul.f32 v27, v16;
	v41 =	vmul.f32 v28, v20  }
0x78: {  	v27 =	vmul.f32 v27, v21;
	v28 =	vmul.f32 v28, v17  }
0x79: {  	v54 =	vmul.f32 v29, v3;
	v55 =	vmul.f32 v29, v4  }
0x7a: {  	v56 =	vmul.f32 v29, v6;
	v57 =	vmul.f32 v29, v7  }
0x7b: {  	v58 =	vmul.f32 v29, v8;
	v62 =	vmul.f32 v59, v22  }
0x7c: {  	v42 =	vmul.f32 v59, v23;
	v43 =	vmul.f32 v60, v26  }
0x7d: {  	v45 =	vmul.f32 v60, v12;
	v46 =	vmul.f32 v60, v18  }
0x7e: {  	v63 =	vmul.f32 v59, v19;
	v32 =	vadd.f32 v33, v32;
	v30 =	vadd.f32 v35, v30  }
0x7f: {  	v44 =	vld [tilespmem:s31+$0x1D00];
	v47 =	vmul.f32 v60, v10;
	v31 =	vadd.f32 v36, v31;
	v35 =	vadd.f32 v50, v37  }
0x80: {  	v48 =	vmul.f32 v60, v14;
	v53 =	vadd.f32 v39, v38;
	v33 =	vadd.f32 v51, v40  }
0x81: {  	v36 =	vadd.f32 v41, v52;
	v27 =	vadd.f32 v28, v27;
	v28 =	vmul.f32 v29, v5  }
0x82: {  	v29 =	vmul.f32 v29, v9;
	v41 =	vadd.f32 v45, v62;
	v42 =	vadd.f32 v46, v42  }
0x83: {  	v50 =	vmul.f32 v60, v20;
	v51 =	vmul.f32 v59, v21;
	v47 =	vadd.f32 v47, v63  }
0x84: {  	v34 =	vld [tilespmem:s30+$0x2B80];
	v38 =	vmul.f32 v60, v17;
	v62 =	vmul.f32 v44, v6;
	v32 =	vadd.f32 v49, v32  }
0x85: {  	v63 =	vmul.f32 v44, v7;
	v30 =	vadd.f32 v54, v30;
	v31 =	vadd.f32 v55, v31  }
0x86: {  	v46 =	vmul.f32 v44, v8;
	v35 =	vadd.f32 v28, v35;
	v37 =	vadd.f32 v56, v53  }
0x87: {  	v33 =	vadd.f32 v57, v33;
	v28 =	vimm.f32 $+Inf;
	v36 =	vadd.f32 v58, v36  }
0x88: {  	v27 =	vadd.f32 v29, v27;
	v54 =	vmul.f32 v44, v24;
	v55 =	vmul.f32 v59, v13  }
0x89: {  	v49 =	vmul.f32 v59, v15;
	v40 =	vadd.f32 v38, v51;
	v32 =	vsub.f32 v34, v32  }
0x8a: {  	v56 =	vmul.f32 v60, v11;
	v30 =	vsub.f32 v34, v30;
	v31 =	vsub.f32 v34, v31  }
0x8b: {  	v57 =	vmul.f32 v59, v16;
	v61 =	vsub.f32 v34, v35;
	v37 =	vsub.f32 v34, v37  }
0x8c: {  	v35 =	vsub.f32 v34, v36;
	v36 =	vsub.f32 v34, v27;
	v27 =	vmul.f32 v59, v25  }
0x8d: {  	v60 =	vmul.f32 v44, v4;
	v33 =	vsub.f32 v34, v33;
	v34 =	vld [tilespmem:s31+$0x2B80];
	v45 =	vadd.f32 v48, v55  }
0x8e: {  	v38 =	vimm.f32 $+Inf;
	v58 =	vadd.f32 v56, v49;
	v27 =	vadd.f32 v43, v27  }
0x8f: {  	v39 =	vadd.f32 v50, v57;
	v59 =	vmul.f32 v44, v3;
	v29 =	vmin.f32 v28, v30  }
0x90: {  	v30 =	vmin.f32 v28, v31;
	v31 =	vmin.f32 v28, v61;
	v27 =	vadd.f32 v54, v27  }
0x91: {  	v61 =	vmul.f32 v44, v5;
	v41 =	vadd.f32 v59, v41;
	v43 =	vadd.f32 v60, v42  }
0x92: {  	v32 =	vmin.f32 v28, v32;
	v45 =	vadd.f32 v62, v45;
	v27 =	vsub.f32 v34, v27  }
0x93: {  	s21 =	simm.s32 $0x20;
	v33 =	vmin.f32 v28, v33;
	v42 =	vadd.f32 v61, v47;
	v47 =	vmul.f32 v44, v9  }
0x94: {  	s20 =	simm.s32 $0xC0;
	v44 =	vadd.f32 v63, v58;
	v27 =	vmin.f32 v32, v27;
	v32 =	vmin.f32 v28, v37;
	v37 =	vld [tilespmem:s21+$0x0]  }
.LBB2_7:
0x95: {  	p0 =	sne.s32 s20, $0x3840;
	v48 =	vld [tilespmem:s21+$0xE80];
	v39 =	vadd.f32 v46, v39;
	v40 =	vadd.f32 v47, v40;
	v28 =	vmin.f32 v28, v35  }
0x96: {  	v35 =	vsub.f32 v34, v41;
	v41 =	vsub.f32 v34, v43;
	v38 =	vmin.f32 v38, v36  }
0x97: {  	v42 =	vsub.f32 v34, v42;
	v43 =	vsub.f32 v34, v45;
	v47 =	vld [tilespmem:s21+$0x1D00]  }
0x98: {  	v49 =	vsub.f32 v34, v44;
	v29 =	vmin.f32 v29, v35;
	v35 =	vsub.f32 v34, v39  }
0x99: {  	v36 =	vsub.f32 v34, v40;
	v39 =	vmul.f32 v37, v22;
	v44 =	vmul.f32 v37, v23  }
0x9a: {  	v30 =	vmin.f32 v30, v41;
	v40 =	vmul.f32 v37, v25;
	v45 =	vmul.f32 v48, v26  }
0x9b: {  	v31 =	vmin.f32 v31, v42;
	v41 =	vmul.f32 v48, v12;
	v46 =	vmul.f32 v48, v18;
	v34 =	vld [tilespmem:s21+$0x2B80]  }
0x9c: {  	v42 =	vmul.f32 v37, v19;
	v40 =	vadd.f32 v45, v40;
	v45 =	vmul.f32 v47, v24  }
0x9d: {  	v50 =	vmul.f32 v37, v13;
	v41 =	vadd.f32 v41, v39;
	v39 =	vmul.f32 v48, v10  }
0x9e: {  	v52 =	vmul.f32 v37, v15;
	v51 =	vmul.f32 v48, v14;
	v40 =	vadd.f32 v45, v40  }
0x9f: {  	v44 =	vadd.f32 v46, v44;
	v46 =	vmul.f32 v37, v16;
	v45 =	vmul.f32 v48, v11  }
0xa0: {  	v53 =	vmul.f32 v48, v20;
	v37 =	vmul.f32 v37, v21;
	v40 =	vsub.f32 v34, v40  }
0xa1: {  	v50 =	vadd.f32 v51, v50;
	v42 =	vadd.f32 v39, v42;
	v48 =	vmul.f32 v48, v17  }
0xa2: {  	v39 =	vadd.f32 v53, v46;
	v51 =	vadd.f32 v45, v52;
	v27 =	vmin.f32 v27, v40  }
.Ltmp3:
0xa3: {  	v45 =	vmul.f32 v47, v3;
	v52 =	vmul.f32 v47, v4;
	v40 =	vadd.f32 v48, v37;
	(pc) =	sbr.rel @p0 .LBB2_7-.Ltmp3, $4  }
0xa4: {  	v32 =	vmin.f32 v32, v43;
	v37 =	vmul.f32 v47, v5;
	v48 =	vmul.f32 v47, v6  }
0xa5: {  	v53 =	vmul.f32 v47, v7;
	v46 =	vmul.f32 v47, v8;
	v41 =	vadd.f32 v45, v41  }
0xa6: {  	s21 =	sshra.s32 s20, $0x2;
	v43 =	vadd.f32 v52, v44;
	v47 =	vmul.f32 v47, v9;
	v42 =	vadd.f32 v37, v42  }
0xa7: {  	v33 =	vmin.f32 v33, v49;
	s20 =	sadd.s32 $0x40, s20;
	v44 =	vadd.f32 v53, v51;
	v45 =	vadd.f32 v48, v50;
	v37 =	vld [tilespmem:s21+$0x0]  }
0xa8: {  	_ =	sdelay $0x1  }
0xa9: {  	v39 =	vadd.f32 v46, v39  }
0xaa: {  	v48 =	vld [tilespmem:s21+$0xE80];
	v40 =	vadd.f32 v47, v40;
	v28 =	vmin.f32 v28, v35;
	v59 =	vsub.f32 v34, v41  }
0xab: {  	v60 =	vsub.f32 v34, v43;
	v61 =	vld [tilespmem:s21+$0x1D00];
	v22 =	vmul.f32 v37, v22;
	v23 =	vmul.f32 v37, v23  }
0xac: {  	v36 =	vmin.f32 v38, v36;
	v25 =	vmul.f32 v37, v25;
	v19 =	vmul.f32 v37, v19  }
0xad: {  	v42 =	vsub.f32 v34, v42;
	v13 =	vmul.f32 v37, v13;
	v15 =	vmul.f32 v37, v15  }
0xae: {  	v62 =	vsub.f32 v34, v45;
	v16 =	vmul.f32 v37, v16;
	v21 =	vmul.f32 v37, v21  }
0xaf: {  	v63 =	vsub.f32 v34, v44;
	v26 =	vmul.f32 v48, v26;
	v12 =	vmul.f32 v48, v12  }
0xb0: {  	v29 =	vmin.f32 v29, v59;
	v18 =	vmul.f32 v48, v18;
	v24 =	vmul.f32 v61, v24  }
0xb1: {  	v39 =	vsub.f32 v34, v39;
	v10 =	vmul.f32 v48, v10;
	v14 =	vmul.f32 v48, v14  }
0xb2: {  	v44 =	vsub.f32 v34, v40;
	v11 =	vmul.f32 v48, v11;
	v20 =	vmul.f32 v48, v20  }
0xb3: {  	v30 =	vmin.f32 v30, v60;
	v3 =	vmul.f32 v61, v3;
	v4 =	vmul.f32 v61, v4  }
0xb4: {  	v31 =	vmin.f32 v31, v42;
	v5 =	vmul.f32 v61, v5;
	v6 =	vmul.f32 v61, v6  }
0xb5: {  	v7 =	vmul.f32 v61, v7;
	v8 =	vmul.f32 v61, v8;
	v25 =	vadd.f32 v26, v25  }
0xb6: {  	v9 =	vmul.f32 v61, v9;
	v12 =	vadd.f32 v12, v22;
	v18 =	vadd.f32 v18, v23  }
0xb7: {  	v45 =	vld [tilespmem:s21+$0x2B80];
	v10 =	vadd.f32 v10, v19;
	v13 =	vadd.f32 v14, v13;
	v14 =	vmul.f32 v48, v17  }
0xb8: {  	v11 =	vadd.f32 v11, v15;
	v15 =	vadd.f32 v20, v16;
	v16 =	vmin.f32 v32, v62  }
0xb9: {  	v17 =	vbroadcast v0, $0xB;
	v22 =	vadd.f32 v24, v25;
	v14 =	vadd.f32 v14, v21  }
0xba: {  	v19 =	vbroadcast v2, $0xC;
	v3 =	vadd.f32 v3, v12;
	v4 =	vadd.f32 v4, v18  }
0xbb: {  	v20 =	vbroadcast v2, $0xD;
	v5 =	vadd.f32 v5, v10;
	v6 =	vadd.f32 v6, v13  }
0xbc: {  	v23 =	vbroadcast v2, $0xE;
	v7 =	vadd.f32 v7, v11;
	v3 =	vsub.f32 v45, v3  }
0xbd: {  	s20 =	sshll.u32 s19, $0xB;
	v12 =	vmin.f32 v33, v63;
	v8 =	vadd.f32 v8, v15;
	v4 =	vsub.f32 v45, v4  }
0xbe: {  	s20 =	sand.u32 $0x3FFFF800, s20;
	v13 =	vmin.f32 v28, v39;
	v5 =	vsub.f32 v45, v5;
	v3 =	vmin.f32 v29, v3  }
0xbf: {  	v15 =	vmin.f32 v36, v44;
	v6 =	vsub.f32 v45, v6;
	v4 =	vmin.f32 v30, v4;
	[tilespmem:s20+$0x3D00] =	vst v3  }
0xc0: {  	v11 =	vbroadcast v2, $0x8;
	v7 =	vsub.f32 v45, v7;
	v3 =	vmin.f32 v31, v5;
	[tilespmem:s20+$0x3D80] =	vst v4  }
0xc1: {  	v9 =	vadd.f32 v9, v14;
	v8 =	vsub.f32 v45, v8;
	v4 =	vmin.f32 v16, v6;
	[tilespmem:s20+$0x3E00] =	vst v3  }
0xc2: {  	v10 =	vbroadcast v0, $0x8;
	v22 =	vsub.f32 v45, v22;
	v5 =	vmin.f32 v12, v7;
	[tilespmem:s20+$0x3E80] =	vst v4  }
0xc3: {  	v18 =	vbroadcast v0, $0xC;
	v9 =	vsub.f32 v45, v9;
	v6 =	vmin.f32 v13, v8;
	[tilespmem:s20+$0x3F00] =	vst v5  }
0xc4: {  	v21 =	vbroadcast v0, $0xD;
	v24 =	vbroadcast v0, $0xF;
	v8 =	vmin.f32 v27, v22;
	[tilespmem:s20+$0x3F80] =	vst v6  }
0xc5: {  	v14 =	vbroadcast v2, $0xA;
	v16 =	vbroadcast v2, $0x9;
	v7 =	vmin.f32 v15, v9;
	[tilespmem:s20+$0x4080] =	vst v8  }
0xc6: {  	s30 =	simm.s32 $0x0;
	v12 =	vbroadcast v0, $0x9;
	v13 =	vbroadcast v0, $0xA;
	[tilespmem:s20+$0x4000] =	vst v7  }
0xc7: {  	v22 =	vbroadcast v0, $0xE;
	v0 =	vbroadcast v1, $0xF;
	v25 =	vld [tilespmem:s30+$0x0]  }
0xc8: {  	v3 =	vbroadcast v1, $0x8;
	v4 =	vbroadcast v1, $0x9  }
0xc9: {  	v5 =	vbroadcast v1, $0xA;
	v15 =	vbroadcast v2, $0xB;
	v26 =	vld [tilespmem:s30+$0xE80]  }
0xca: {  	v6 =	vbroadcast v1, $0xB;
	v8 =	vbroadcast v1, $0xD  }
0xcb: {  	v9 =	vbroadcast v1, $0xE;
	v2 =	vbroadcast v2, $0xF  }
0xcc: {  	v7 =	vbroadcast v1, $0xC;
	v1 =	vmul.f32 v25, v11  }
0xcd: {  	v28 =	vmul.f32 v25, v16;
	v29 =	vmul.f32 v25, v2  }
0xce: {  	v27 =	vld [tilespmem:s30+$0x1D00];
	v30 =	vmul.f32 v26, v24;
	v46 =	vmul.f32 v26, v10  }
0xcf: {  	s31 =	simm.s32 $0x10;
	v47 =	vmul.f32 v26, v12;
	v48 =	vmul.f32 v25, v14  }
0xd0: {  	v62 =	vld [tilespmem:s31+$0xE80];
	v49 =	vmul.f32 v26, v13;
	v50 =	vmul.f32 v25, v15  }
0xd1: {  	v41 =	vld [tilespmem:s31+$0x1D00];
	v51 =	vmul.f32 v26, v17;
	v52 =	vmul.f32 v25, v19  }
0xd2: {  	v53 =	vmul.f32 v25, v20;
	v54 =	vmul.f32 v26, v21  }
0xd3: {  	v25 =	vmul.f32 v25, v23;
	v56 =	vmul.f32 v27, v3  }
0xd4: {  	v57 =	vmul.f32 v27, v4;
	v58 =	vmul.f32 v27, v6  }
0xd5: {  	v61 =	vld [tilespmem:s31+$0x0];
	v59 =	vmul.f32 v27, v7;
	v60 =	vmul.f32 v27, v8  }
0xd6: {  	v35 =	vmul.f32 v62, v22;
	v43 =	vmul.f32 v41, v8  }
0xd7: {  	v44 =	vmul.f32 v41, v9;
	v29 =	vadd.f32 v30, v29;
	v1 =	vadd.f32 v46, v1  }
0xd8: {  	v30 =	vmul.f32 v27, v0;
	v28 =	vadd.f32 v47, v28;
	v32 =	vadd.f32 v49, v48  }
0xd9: {  	v55 =	vadd.f32 v51, v50;
	v50 =	vmul.f32 v62, v24;
	v51 =	vmul.f32 v62, v10  }
0xda: {  	v31 =	vld [tilespmem:s30+$0x2B80];
	v33 =	vadd.f32 v54, v53;
	v53 =	vmul.f32 v61, v14;
	v54 =	vmul.f32 v41, v0  }
0xdb: {  	v29 =	vadd.f32 v30, v29;
	v30 =	vmul.f32 v26, v18;
	v1 =	vadd.f32 v56, v1  }
0xdc: {  	v26 =	vmul.f32 v26, v22;
	v28 =	vadd.f32 v57, v28;
	v34 =	vadd.f32 v58, v55  }
0xdd: {  	v33 =	vadd.f32 v60, v33;
	v55 =	vmul.f32 v62, v13;
	v56 =	vmul.f32 v62, v17  }
0xde: {  	v57 =	vmul.f32 v61, v19;
	v25 =	vadd.f32 v26, v25;
	v26 =	vmul.f32 v27, v5  }
0xdf: {  	v29 =	vsub.f32 v31, v29;
	v30 =	vadd.f32 v30, v52;
	v27 =	vmul.f32 v27, v9  }
0xe0: {  	v58 =	vmul.f32 v62, v18;
	v1 =	vsub.f32 v31, v1;
	v32 =	vadd.f32 v26, v32  }
0xe1: {  	v28 =	vsub.f32 v31, v28;
	v26 =	vimm.f32 $+Inf;
	v25 =	vadd.f32 v27, v25  }
0xe2: {  	v30 =	vadd.f32 v59, v30;
	v63 =	vmin.f32 v26, v29;
	v29 =	vsub.f32 v31, v32  }
0xe3: {  	v32 =	vsub.f32 v31, v33;
	v33 =	vsub.f32 v31, v25;
	v25 =	vmul.f32 v61, v2  }
0xe4: {  	v60 =	vmul.f32 v61, v23;
	v34 =	vsub.f32 v31, v34;
	v45 =	vsub.f32 v31, v30;
	v31 =	vld [tilespmem:s31+$0x2B80]  }
0xe5: {  	v52 =	vmul.f32 v62, v12;
	v42 =	vadd.f32 v55, v53;
	v25 =	vadd.f32 v50, v25  }
0xe6: {  	v46 =	vadd.f32 v58, v57;
	v37 =	vadd.f32 v35, v60;
	v59 =	vmul.f32 v62, v21  }
0xe7: {  	v27 =	vmin.f32 v26, v1;
	v1 =	vmul.f32 v61, v11;
	v25 =	vadd.f32 v54, v25  }
0xe8: {  	v35 =	vimm.f32 $+Inf;
	v62 =	vmul.f32 v41, v5;
	v30 =	vmul.f32 v61, v16  }
0xe9: {  	v39 =	vadd.f32 v51, v1;
	v1 =	vmul.f32 v61, v15;
	v25 =	vsub.f32 v31, v25  }
0xea: {  	v28 =	vmin.f32 v26, v28;
	v40 =	vadd.f32 v52, v30;
	v30 =	vmul.f32 v61, v20  }
0xeb: {  	v49 =	vadd.f32 v56, v1;
	v1 =	vmin.f32 v63, v25;
	v25 =	vmul.f32 v41, v3  }
0xec: {  	v29 =	vmin.f32 v26, v29;
	v61 =	vmul.f32 v41, v4;
	v36 =	vadd.f32 v59, v30  }
0xed: {  	v63 =	vmul.f32 v41, v6;
	v38 =	vadd.f32 v25, v39;
	v25 =	vmul.f32 v41, v7  }
0xee: {  	s22 =	simm.s32 $0x20;
	v30 =	vmin.f32 v26, v34;
	v40 =	vadd.f32 v61, v40;
	v39 =	vadd.f32 v62, v42  }
0xef: {  	s21 =	simm.s32 $0xC0;
	v34 =	vld [tilespmem:s22+$0x0];
	v42 =	vadd.f32 v63, v49;
	v41 =	vadd.f32 v25, v46;
	v25 =	vmin.f32 v26, v45  }
.LBB2_9:
0xf0: {  	p0 =	sne.s32 s21, $0x3840;
	v45 =	vld [tilespmem:s22+$0xE80];
	v36 =	vadd.f32 v43, v36;
	v37 =	vadd.f32 v44, v37;
	v26 =	vmin.f32 v26, v32  }
0xf1: {  	v32 =	vsub.f32 v31, v38;
	v38 =	vsub.f32 v31, v40;
	v35 =	vmin.f32 v35, v33  }
0xf2: {  	v39 =	vsub.f32 v31, v39;
	v40 =	vsub.f32 v31, v42;
	v44 =	vld [tilespmem:s22+$0x1D00]  }
0xf3: {  	v46 =	vsub.f32 v31, v41;
	v27 =	vmin.f32 v27, v32;
	v32 =	vsub.f32 v31, v36  }
0xf4: {  	v33 =	vsub.f32 v31, v37;
	v36 =	vmul.f32 v34, v11;
	v41 =	vmul.f32 v34, v16  }
0xf5: {  	v28 =	vmin.f32 v28, v38;
	v37 =	vmul.f32 v34, v2;
	v42 =	vmul.f32 v45, v24  }
0xf6: {  	v29 =	vmin.f32 v29, v39;
	v38 =	vmul.f32 v45, v10;
	v43 =	vmul.f32 v45, v12;
	v31 =	vld [tilespmem:s22+$0x2B80]  }
0xf7: {  	v39 =	vmul.f32 v34, v14;
	v37 =	vadd.f32 v42, v37;
	v42 =	vmul.f32 v44, v0  }
0xf8: {  	v47 =	vmul.f32 v34, v15;
	v38 =	vadd.f32 v38, v36;
	v36 =	vmul.f32 v45, v13  }
0xf9: {  	v49 =	vmul.f32 v34, v19;
	v48 =	vmul.f32 v45, v17;
	v37 =	vadd.f32 v42, v37  }
0xfa: {  	v41 =	vadd.f32 v43, v41;
	v43 =	vmul.f32 v34, v20;
	v42 =	vmul.f32 v45, v18  }
0xfb: {  	v50 =	vmul.f32 v45, v21;
	v34 =	vmul.f32 v34, v23;
	v37 =	vsub.f32 v31, v37  }
0xfc: {  	v47 =	vadd.f32 v48, v47;
	v39 =	vadd.f32 v36, v39;
	v45 =	vmul.f32 v45, v22  }
0xfd: {  	v36 =	vadd.f32 v50, v43;
	v48 =	vadd.f32 v42, v49;
	v1 =	vmin.f32 v1, v37  }
.Ltmp4:
0xfe: {  	v42 =	vmul.f32 v44, v3;
	v49 =	vmul.f32 v44, v4;
	v37 =	vadd.f32 v45, v34;
	(pc) =	sbr.rel @p0 .LBB2_9-.Ltmp4, $4  }
0xff: {  	v30 =	vmin.f32 v30, v40;
	v34 =	vmul.f32 v44, v5;
	v45 =	vmul.f32 v44, v6  }
0x100: {  	v50 =	vmul.f32 v44, v7;
	v43 =	vmul.f32 v44, v8;
	v38 =	vadd.f32 v42, v38  }
0x101: {  	s22 =	sshra.s32 s21, $0x2;
	v40 =	vadd.f32 v49, v41;
	v44 =	vmul.f32 v44, v9;
	v39 =	vadd.f32 v34, v39  }
0x102: {  	v25 =	vmin.f32 v25, v46;
	s21 =	sadd.s32 $0x40, s21;
	v41 =	vadd.f32 v50, v48;
	v42 =	vadd.f32 v45, v47;
	v34 =	vld [tilespmem:s22+$0x0]  }
0x103: {  	_ =	sdelay $0x1  }
0x104: {  	v36 =	vadd.f32 v43, v36;
	v37 =	vadd.f32 v44, v37  }
0x105: {  	v61 =	vld [tilespmem:s22+$0xE80];
	v38 =	vsub.f32 v31, v38;
	v26 =	vmin.f32 v26, v32;
	v62 =	vsub.f32 v31, v40  }
0x106: {  	v33 =	vmin.f32 v35, v33;
	v39 =	vsub.f32 v31, v39;
	v11 =	vmul.f32 v34, v11  }
0x107: {  	v63 =	vld [tilespmem:s22+$0x1D00];
	v44 =	vsub.f32 v31, v42;
	v16 =	vmul.f32 v34, v16;
	v2 =	vmul.f32 v34, v2  }
0x108: {  	v45 =	vsub.f32 v31, v41;
	v14 =	vmul.f32 v34, v14;
	v47 =	vmul.f32 v34, v15  }
0x109: {  	v27 =	vmin.f32 v27, v38;
	v49 =	vmul.f32 v34, v19;
	v51 =	vmul.f32 v34, v20  }
0x10a: {  	v36 =	vsub.f32 v31, v36;
	v54 =	vmul.f32 v34, v23;
	v24 =	vmul.f32 v61, v24  }
0x10b: {  	v46 =	vsub.f32 v31, v37;
	v10 =	vmul.f32 v61, v10;
	v12 =	vmul.f32 v61, v12  }
0x10c: {  	v28 =	vmin.f32 v28, v62;
	v0 =	vmul.f32 v63, v0;
	v13 =	vmul.f32 v61, v13  }
0x10d: {  	v29 =	vmin.f32 v29, v39;
	v48 =	vmul.f32 v61, v17;
	v50 =	vmul.f32 v61, v18  }
0x10e: {  	v57 =	vmin.f32 v30, v44;
	v52 =	vmul.f32 v61, v21;
	v55 =	vmul.f32 v61, v22  }
0x10f: {  	v53 =	vld [tilespmem:s22+$0x2B80];
	v3 =	vmul.f32 v63, v3;
	v2 =	vadd.f32 v24, v2;
	v10 =	vadd.f32 v10, v11  }
0x110: {  	v4 =	vmul.f32 v63, v4;
	v12 =	vadd.f32 v12, v16;
	v13 =	vadd.f32 v13, v14  }
0x111: {  	v5 =	vmul.f32 v63, v5;
	v11 =	vadd.f32 v48, v47;
	v56 =	vadd.f32 v52, v51  }
0x112: {  	v6 =	vmul.f32 v63, v6;
	v14 =	vadd.f32 v55, v54;
	v3 =	vadd.f32 v3, v10  }
0x113: {  	v7 =	vmul.f32 v63, v7;
	v0 =	vadd.f32 v0, v2;
	v4 =	vadd.f32 v4, v12  }
0x114: {  	v8 =	vmul.f32 v63, v8;
	v5 =	vadd.f32 v5, v13;
	v3 =	vsub.f32 v53, v3  }
0x115: {  	v9 =	vmul.f32 v63, v9;
	v6 =	vadd.f32 v6, v11;
	v4 =	vsub.f32 v53, v4  }
0x116: {  	v2 =	vadd.f32 v50, v49;
	v5 =	vsub.f32 v53, v5;
	v3 =	vmin.f32 v27, v3  }
0x117: {  	v58 =	vadd.f32 v8, v56;
	v6 =	vsub.f32 v53, v6;
	v4 =	vmin.f32 v28, v4;
	[tilespmem:s20+$0x4100] =	vst v3  }
0x118: {  	s19 =	sadd.s32 $0x1, s19;
	v2 =	vadd.f32 v7, v2;
	v0 =	vsub.f32 v53, v0;
	v5 =	vmin.f32 v29, v5;
	[tilespmem:s20+$0x4180] =	vst v4  }
0x119: {  	p0 =	sne.s32 s19, $0xE;
	v59 =	vadd.f32 v9, v14;
	v7 =	vsub.f32 v53, v58;
	v6 =	vmin.f32 v57, v6;
	[tilespmem:s20+$0x4200] =	vst v5  }
.Ltmp5:
0x11a: {  	v61 =	vmin.f32 v26, v36;
	v2 =	vsub.f32 v53, v2;
	v0 =	vmin.f32 v1, v0;
	[tilespmem:s20+$0x4280] =	vst v6;
	(pc) =	sbr.rel @p0 .LBB2_6-.Ltmp5, $4  }
0x11b: {  	v60 =	vmin.f32 v25, v45;
	v3 =	vsub.f32 v53, v59;
	v5 =	vmin.f32 v61, v7;
	[tilespmem:s20+$0x4480] =	vst v0  }
0x11c: {  	v62 =	vmin.f32 v33, v46;
	v2 =	vmin.f32 v60, v2;
	[tilespmem:s20+$0x4380] =	vst v5  }
0x11d: {  	[tilespmem:s20+$0x4300] =	vst v2;
	v63 =	vmin.f32 v62, v3  }
0x11e: {  	[tilespmem:s20+$0x4400] =	vst v63  }
0x11f: {  	s18 =	sadd.s32 $0x1, s18  }
0x120: {  	p0 =	sne.s32 s18, s10  }
.Ltmp6:
0x121: {  	_ = 	snop;
	(pc) =	sbr.rel @p0 .LBB2_1-.Ltmp6, $4  }
0x122: {  	[hbm4b:s9+s3] =	stream.linear.scatter [tilespmem:s17], [sflag:$0x1], $0x7000, $0x38;
	[tilespmem:$0xAD00] =	vst v63  }
0x123: {  	_ =	swait.ge [sflag:s11], $0x7000  }
0x124: {  	[sflag:s11] =	ssyncset.done $0x0  }
0x125: {  	[sflag:s11] =	ssyncadd.s32 $0xFFFF9000  }
0x126: {  	_ =	sfence.sel $0x180000  }
0x127: {  	[bflag:$0x0] =	sbarrier.arrive $0xFFFF  }
0x128: {  	p0 =	sne.s32 s1, $0x0;
	_ =	strace $0x90000047  }
0x129: {  	s0 =	sadd.s32 @!p0 $0x100000, s0;
	[bflag:$0x2] =	sbarrier.arrive $0xFFFF  }
0x12a: {  	[sflag:s0] =	ssyncadd.tile.s32 @!p0 $0x1;
	_ =	shalt  }
.Lfunc_end2:
_tile_overlayer_lowered:
.L_overlay_start_2:
0x12b: {  	(tag) =	ssettag $0x2  }
0x12c: {  	s0 =	rddreg [dreg:$0x0];
	s2 =	stileid.u32  }
0x12d: {  	s1 =	rddreg [dreg:$0x1];
	p0 =	sne.s32 s2, $0x0  }
0x12e: {  	s3 =	rddreg [dreg:$0x2];
	[bflag:$0x3] =	sbarrier.arrive $0xFFFF;
	s2 =	simm.s32 @!p0 $0x1C01  }
0x12f: {  	[timem:s3], [sflag:s2] =	dma.local @!p0 [hbm:s0], s1  }
0x130: {  	s0 =	simm.s32 @!p0 $0x1  }
0x131: {  	_ =	swait.ge @!p0 [sflag:s0], s1  }
0x132: {  	s1 =	ssub.s32 @!p0 $0x0, s1;
	[sflag:s0] =	ssyncset.done @!p0 $0x0  }
0x133: {  	[sflag:s0] =	ssyncadd.s32 @!p0 s1  }
0x134: {  	[bflag:$0x3] =	sbarrier.arrive $0xFFFF  }
0x135: {  	_ =	shalt  }

</sc_bundles>
